<compile_context>
chip_gen: v7x
topology: tpu7x:2x2x1
jax: 0.10.2.dev20260603
libtpu: 0.0.44.dev20260713+nightly
codegen_flags: <defaults>
</compile_context>

<pallas_src>
import functools

import jax
import jax.numpy as jnp
from jax import lax
from jax.experimental import pallas as pl
from jax.experimental.pallas import tpu as pltpu
from jax.experimental.pallas import tpu_sc as plsc

EMBED_DIM = 32
BATCH = 4096
HIST = 50

NUM_CORES = 2
NUM_SUBCORES = 16
NW = NUM_CORES * NUM_SUBCORES
BPW = BATCH // NW
CB = 8
NCHUNK = BPW // CB


def _issue_row_gathers(table_hbm, rows_v, idx_c, slot, bi, gsem):
    vecs = [
        idx_c[bi, pl.ds(0, 16)],
        idx_c[bi, pl.ds(16, 16)],
        idx_c[bi, pl.ds(32, 16)],
        idx_c[bi, pl.ds(34, 16)],
    ]
    for h in range(HIST):
        if h < 48:
            i = vecs[h // 16][h % 16]
        else:
            i = vecs[3][h - 34]
        pltpu.async_copy(table_hbm.at[i], rows_v.at[slot, bi, h], gsem)


def _gather_kernel(idx_hbm, table_hbm, out_hbm, idx_v, rows_v,
                   gsem, wsem, isem):
    wid = lax.axis_index("s") * NUM_CORES + lax.axis_index("c")
    b0 = wid * BPW
    pltpu.sync_copy(idx_hbm.at[pl.ds(b0, CB)], idx_v.at[0])

    def chunk_body(g, _):
        slot = lax.rem(g, 2)
        bb = b0 + g * CB

        @pl.when(g >= 2)
        def _():
            pltpu.make_async_copy(
                rows_v.at[slot], out_hbm.at[pl.ds(bb, CB)], wsem).wait()

        @pl.when(g >= 1)
        def _():
            pltpu.make_async_copy(
                idx_hbm.at[pl.ds(bb, CB)], idx_v.at[slot], isem).wait()

        @pl.when(g <= NCHUNK - 2)
        def _():
            pltpu.async_copy(
                idx_hbm.at[pl.ds(bb + CB, CB)], idx_v.at[1 - slot], isem)

        def body(bi, _):
            _issue_row_gathers(table_hbm, rows_v, idx_v.at[slot],
                               slot, bi, gsem)
            return ()

        lax.fori_loop(0, CB, body, ())
        pltpu.make_async_copy(
            out_hbm.at[pl.ds(bb, CB)], rows_v.at[slot], gsem).wait()
        pltpu.async_copy(rows_v.at[slot], out_hbm.at[pl.ds(bb, CB)], wsem)
        return ()

    lax.fori_loop(0, NCHUNK, chunk_body, ())
    pltpu.make_async_copy(
        rows_v.at[0], out_hbm.at[pl.ds(b0, CB)], wsem).wait()
    pltpu.make_async_copy(
        rows_v.at[1], out_hbm.at[pl.ds(b0, CB)], wsem).wait()


@jax.jit
def kernel(inputs, embeddings):
    idx = inputs.astype(jnp.int32)
    mesh = plsc.VectorSubcoreMesh(core_axis_name="c", subcore_axis_name="s")
    run = functools.partial(
        pl.kernel,
        mesh=mesh,
        out_type=jax.ShapeDtypeStruct((BATCH, HIST, EMBED_DIM), jnp.float32),
        scratch_types=[
            pltpu.VMEM((2, CB, HIST), jnp.int32),
            pltpu.VMEM((2, CB, HIST, EMBED_DIM), jnp.float32),
            pltpu.SemaphoreType.DMA,
            pltpu.SemaphoreType.DMA,
            pltpu.SemaphoreType.DMA,
        ],
        compiler_params=pltpu.CompilerParams(
            skip_device_barrier=True,
            disable_bounds_checks=True,
            disable_semaphore_checks=True,
        ),
    )(_gather_kernel)
    return run(idx, embeddings)

# --- scband reference (transcript-rebuilt; emitter-appended) ---
"""Pipeline reference for scband-pre-trained-embeddding-12403865550929 (READ-ONLY COPY).

The authoritative reference and input builder live on the scoring server;
editing this copy changes nothing except your own understanding.
"""

import jax, jax.numpy as jnp
import numpy as np

VOCAB = 1000000
EMBED_DIM = 32
BATCH = 4096
HIST = 50

def setup_inputs(seed: int = 0) -> dict:
    key = jax.random.key(seed)
    k1, k2 = jax.random.split(key)
    inputs = jax.random.randint(k1, (BATCH, HIST), 0, VOCAB, dtype=jnp.int64)
    embeddings = jax.random.normal(k2, (VOCAB, EMBED_DIM), dtype=jnp.float32)
    return {"inputs": inputs, "embeddings": embeddings}

def reference(inputs, embeddings):
    # tf.nn.embedding_lookup -> gather rows of the table
    out = jnp.take(embeddings, inputs, axis=0)
    # Dropout with training=None (inference) is the identity
    return out

if __name__ == "__main__":
    import jax
    _d = setup_inputs()
    print(jax.jit(kernel)(*tuple(_d.values())))

</pallas_src>

<mosaic_0001>
#map = affine_map<(d0, d1) -> (0, 0)>
#map1 = affine_map<(d0, d1) -> (0, 0, 0)>
module attributes {stable_mosaic.version = 14 : i64} {
  func.func @_gather_kernel(%arg0: i32, %arg1: i32, %arg2: memref<4096x50xi32, #tpu.memory_space<hbm>>, %arg3: memref<1000000x32xf32, #tpu.memory_space<hbm>>, %arg4: memref<4096x50x32xf32, #tpu.memory_space<hbm>>, %arg5: memref<2x8x50xi32, #tpu.memory_space<vmem>>, %arg6: memref<2x8x50x32xf32, #tpu.memory_space<vmem>>, %arg7: memref<!tpu.dma_semaphore, #tpu.memory_space<semaphore_mem>>, %arg8: memref<!tpu.dma_semaphore, #tpu.memory_space<semaphore_mem>>, %arg9: memref<!tpu.dma_semaphore, #tpu.memory_space<semaphore_mem>>) attributes {dimension_semantics = [#tpu.dimension_semantics<core_parallel>, #tpu.dimension_semantics<subcore_parallel>], iteration_bounds = array<i64: 2, 16>, scalar_prefetch = 0 : i64, scratch_operands = 5 : i64, tpu.core_type = #tpu.core_type<sc_vector_subcore>, window_params = [{transform_indices = #map}, {transform_indices = #map}, {transform_indices = #map1}]} {
    %mul3A = arith.constant 2 : i32
    %mul3A_0 = arith.muli %arg1, %mul3A : i32
    %add3A = arith.addi %mul3A_0, %arg0 : i32
    %mul3A_1 = arith.constant 128 : i32
    %mul3A_2 = arith.muli %add3A, %mul3A_1 : i32
    %run_scoped3A = arith.constant 0 : i32
    "tpu.region"() ({
      %run_scoped3A_40 = tpu.sem_alloc : memref<!tpu.dma_semaphore, #tpu.memory_space<semaphore_mem>>
      %dma_start3A = arith.constant 0 : i32
      %dma_start3A_41 = arith.constant 0 : i32
      %dma_start3A_42 = tpu.memref_slice %arg5[%run_scoped3A, %dma_start3A, %dma_start3A_41] : memref<2x8x50xi32, #tpu.memory_space<vmem>> -> memref<1x8x50xi32, #tpu.memory_space<vmem>>
      %dma_start3A_43 = tpu.memref_squeeze %dma_start3A_42 : memref<1x8x50xi32, #tpu.memory_space<vmem>> -> memref<8x50xi32, #tpu.memory_space<vmem>>
      %dma_start3A_44 = arith.constant 0 : i32
      %dma_start3A_45 = tpu.memref_slice %arg2[%mul3A_2, %dma_start3A_44] : memref<4096x50xi32, #tpu.memory_space<hbm>> -> memref<8x50xi32, #tpu.memory_space<hbm>>
      %dma_start3A_46 = arith.constant 0 : i32
      %dma_start3A_47 = arith.constant 0 : i32
      %dma_start3A_48 = tpu.memref_slice %arg5[%run_scoped3A, %dma_start3A_46, %dma_start3A_47] : memref<2x8x50xi32, #tpu.memory_space<vmem>> -> memref<1x8x50xi32, #tpu.memory_space<vmem>>
      %dma_start3A_49 = tpu.memref_squeeze %dma_start3A_48 : memref<1x8x50xi32, #tpu.memory_space<vmem>> -> memref<8x50xi32, #tpu.memory_space<vmem>>
      %dma_start3A_50 = arith.constant 0 : i32
      %dma_start3A_51 = tpu.memref_slice %arg2[%mul3A_2, %dma_start3A_50] : memref<4096x50xi32, #tpu.memory_space<hbm>> -> memref<8x50xi32, #tpu.memory_space<hbm>>
      tpu.enqueue_dma source(%dma_start3A_51 : memref<8x50xi32, #tpu.memory_space<hbm>>) target(%dma_start3A_49 : memref<8x50xi32, #tpu.memory_space<vmem>>) target_semaphore(%run_scoped3A_40 : memref<!tpu.dma_semaphore, #tpu.memory_space<semaphore_mem>>)
      %dma_wait3A_52 = arith.constant 0 : i32
      %dma_wait3A_53 = arith.constant 0 : i32
      %dma_wait3A_54 = tpu.memref_slice %arg5[%run_scoped3A, %dma_wait3A_52, %dma_wait3A_53] : memref<2x8x50xi32, #tpu.memory_space<vmem>> -> memref<1x8x50xi32, #tpu.memory_space<vmem>>
      %dma_wait3A_55 = tpu.memref_squeeze %dma_wait3A_54 : memref<1x8x50xi32, #tpu.memory_space<vmem>> -> memref<8x50xi32, #tpu.memory_space<vmem>>
      %dma_wait3A_56 = arith.constant 0 : i32
      %dma_wait3A_57 = tpu.memref_slice %arg2[%mul3A_2, %dma_wait3A_56] : memref<4096x50xi32, #tpu.memory_space<hbm>> -> memref<8x50xi32, #tpu.memory_space<hbm>>
      %dma_wait3A_58 = arith.constant 0 : i32
      %dma_wait3A_59 = arith.constant 0 : i32
      %dma_wait3A_60 = tpu.memref_slice %arg5[%run_scoped3A, %dma_wait3A_58, %dma_wait3A_59] : memref<2x8x50xi32, #tpu.memory_space<vmem>> -> memref<1x8x50xi32, #tpu.memory_space<vmem>>
      %dma_wait3A_61 = tpu.memref_squeeze %dma_wait3A_60 : memref<1x8x50xi32, #tpu.memory_space<vmem>> -> memref<8x50xi32, #tpu.memory_space<vmem>>
      %dma_wait3A_62 = arith.constant 0 : i32
      %dma_wait3A_63 = tpu.memref_slice %arg2[%mul3A_2, %dma_wait3A_62] : memref<4096x50xi32, #tpu.memory_space<hbm>> -> memref<8x50xi32, #tpu.memory_space<hbm>>
      tpu.wait_dma2 semaphore(%run_scoped3A_40 : memref<!tpu.dma_semaphore, #tpu.memory_space<semaphore_mem>>) src(%dma_wait3A_63 : memref<8x50xi32, #tpu.memory_space<hbm>>) dst(%dma_wait3A_61 : memref<8x50xi32, #tpu.memory_space<vmem>>)
      tpu.yield
    }) : () -> ()
    %scan3A = arith.constant 0 : i32
    %scan3A_3 = arith.constant 16 : i32
    %scan3A_4 = arith.addi %scan3A, %scan3A_3 : i32
    %scan3A_5 = arith.constant 1 : i32
    scf.for %scan3A_40 = %scan3A to %scan3A_4 step %scan3A_5  : i32 {
      %rem3A = arith.constant 2 : i32
      %rem3A_41 = arith.remsi %scan3A_40, %rem3A : i32
      %mul3A_42 = arith.constant 8 : i32
      %mul3A_43 = arith.muli %scan3A_40, %mul3A_42 : i32
      %add3A_44 = arith.addi %mul3A_2, %mul3A_43 : i32
      %ge3A = arith.constant 2 : i32
      %ge3A_45 = arith.cmpi sge, %scan3A_40, %ge3A : i32
      %convert_element_type3A = arith.extui %ge3A_45 : i1 to i32
      %cond3A = arith.constant 0 : i32
      %cond3A_46 = arith.cmpi ne, %convert_element_type3A, %cond3A : i32
      scf.if %cond3A_46 {
        %dma_wait3A_92 = arith.constant 0 : i32
        %dma_wait3A_93 = arith.constant 0 : i32
        %dma_wait3A_94 = arith.constant 0 : i32
        %dma_wait3A_95 = tpu.memref_slice %arg6[%rem3A_41, %dma_wait3A_92, %dma_wait3A_93, %dma_wait3A_94] : memref<2x8x50x32xf32, #tpu.memory_space<vmem>> -> memref<1x8x50x32xf32, #tpu.memory_space<vmem>>
        %dma_wait3A_96 = tpu.memref_squeeze %dma_wait3A_95 : memref<1x8x50x32xf32, #tpu.memory_space<vmem>> -> memref<8x50x32xf32, #tpu.memory_space<vmem>>
        %dma_wait3A_97 = arith.constant 0 : i32
        %dma_wait3A_98 = arith.constant 0 : i32
        %dma_wait3A_99 = tpu.memref_slice %arg4[%add3A_44, %dma_wait3A_97, %dma_wait3A_98] : memref<4096x50x32xf32, #tpu.memory_space<hbm>> -> memref<8x50x32xf32, #tpu.memory_space<hbm>>
        %dma_wait3A_100 = arith.constant 0 : i32
        %dma_wait3A_101 = arith.constant 0 : i32
        %dma_wait3A_102 = tpu.memref_slice %arg4[%add3A_44, %dma_wait3A_100, %dma_wait3A_101] : memref<4096x50x32xf32, #tpu.memory_space<hbm>> -> memref<8x50x32xf32, #tpu.memory_space<hbm>>
        %dma_wait3A_103 = arith.constant 0 : i32
        %dma_wait3A_104 = arith.constant 0 : i32
        %dma_wait3A_105 = arith.constant 0 : i32
        %dma_wait3A_106 = tpu.memref_slice %arg6[%rem3A_41, %dma_wait3A_103, %dma_wait3A_104, %dma_wait3A_105] : memref<2x8x50x32xf32, #tpu.memory_space<vmem>> -> memref<1x8x50x32xf32, #tpu.memory_space<vmem>>
        %dma_wait3A_107 = tpu.memref_squeeze %dma_wait3A_106 : memref<1x8x50x32xf32, #tpu.memory_space<vmem>> -> memref<8x50x32xf32, #tpu.memory_space<vmem>>
        tpu.wait_dma2 semaphore(%arg8 : memref<!tpu.dma_semaphore, #tpu.memory_space<semaphore_mem>>) src(%dma_wait3A_107 : memref<8x50x32xf32, #tpu.memory_space<vmem>>) dst(%dma_wait3A_102 : memref<8x50x32xf32, #tpu.memory_space<hbm>>)
      } else {
      }
      %ge3A_47 = arith.constant 1 : i32
      %ge3A_48 = arith.cmpi sge, %scan3A_40, %ge3A_47 : i32
      %convert_element_type3A_49 = arith.extui %ge3A_48 : i1 to i32
      %cond3A_50 = arith.constant 0 : i32
      %cond3A_51 = arith.cmpi ne, %convert_element_type3A_49, %cond3A_50 : i32
      scf.if %cond3A_51 {
        %dma_wait3A_92 = arith.constant 0 : i32
        %dma_wait3A_93 = arith.constant 0 : i32
        %dma_wait3A_94 = tpu.memref_slice %arg5[%rem3A_41, %dma_wait3A_92, %dma_wait3A_93] : memref<2x8x50xi32, #tpu.memory_space<vmem>> -> memref<1x8x50xi32, #tpu.memory_space<vmem>>
        %dma_wait3A_95 = tpu.memref_squeeze %dma_wait3A_94 : memref<1x8x50xi32, #tpu.memory_space<vmem>> -> memref<8x50xi32, #tpu.memory_space<vmem>>
        %dma_wait3A_96 = arith.constant 0 : i32
        %dma_wait3A_97 = tpu.memref_slice %arg2[%add3A_44, %dma_wait3A_96] : memref<4096x50xi32, #tpu.memory_space<hbm>> -> memref<8x50xi32, #tpu.memory_space<hbm>>
        %dma_wait3A_98 = arith.constant 0 : i32
        %dma_wait3A_99 = arith.constant 0 : i32
        %dma_wait3A_100 = tpu.memref_slice %arg5[%rem3A_41, %dma_wait3A_98, %dma_wait3A_99] : memref<2x8x50xi32, #tpu.memory_space<vmem>> -> memref<1x8x50xi32, #tpu.memory_space<vmem>>
        %dma_wait3A_101 = tpu.memref_squeeze %dma_wait3A_100 : memref<1x8x50xi32, #tpu.memory_space<vmem>> -> memref<8x50xi32, #tpu.memory_space<vmem>>
        %dma_wait3A_102 = arith.constant 0 : i32
        %dma_wait3A_103 = tpu.memref_slice %arg2[%add3A_44, %dma_wait3A_102] : memref<4096x50xi32, #tpu.memory_space<hbm>> -> memref<8x50xi32, #tpu.memory_space<hbm>>
        tpu.wait_dma2 semaphore(%arg9 : memref<!tpu.dma_semaphore, #tpu.memory_space<semaphore_mem>>) src(%dma_wait3A_103 : memref<8x50xi32, #tpu.memory_space<hbm>>) dst(%dma_wait3A_101 : memref<8x50xi32, #tpu.memory_space<vmem>>)
      } else {
      }
      %le3A = arith.constant 14 : i32
      %le3A_52 = arith.cmpi sle, %scan3A_40, %le3A : i32
      %convert_element_type3A_53 = arith.extui %le3A_52 : i1 to i32
      %cond3A_54 = arith.constant 0 : i32
      %cond3A_55 = arith.cmpi ne, %convert_element_type3A_53, %cond3A_54 : i32
      scf.if %cond3A_55 {
        %add3A_92 = arith.constant 8 : i32
        %add3A_93 = arith.addi %add3A_44, %add3A_92 : i32
        %sub3A = arith.constant 1 : i32
        %sub3A_94 = arith.subi %sub3A, %rem3A_41 : i32
        %dma_start3A_95 = arith.constant 0 : i32
        %dma_start3A_96 = arith.constant 0 : i32
        %dma_start3A_97 = tpu.memref_slice %arg5[%sub3A_94, %dma_start3A_95, %dma_start3A_96] : memref<2x8x50xi32, #tpu.memory_space<vmem>> -> memref<1x8x50xi32, #tpu.memory_space<vmem>>
        %dma_start3A_98 = tpu.memref_squeeze %dma_start3A_97 : memref<1x8x50xi32, #tpu.memory_space<vmem>> -> memref<8x50xi32, #tpu.memory_space<vmem>>
        %dma_start3A_99 = arith.constant 0 : i32
        %dma_start3A_100 = tpu.memref_slice %arg2[%add3A_93, %dma_start3A_99] : memref<4096x50xi32, #tpu.memory_space<hbm>> -> memref<8x50xi32, #tpu.memory_space<hbm>>
        %dma_start3A_101 = arith.constant 0 : i32
        %dma_start3A_102 = arith.constant 0 : i32
        %dma_start3A_103 = tpu.memref_slice %arg5[%sub3A_94, %dma_start3A_101, %dma_start3A_102] : memref<2x8x50xi32, #tpu.memory_space<vmem>> -> memref<1x8x50xi32, #tpu.memory_space<vmem>>
        %dma_start3A_104 = tpu.memref_squeeze %dma_start3A_103 : memref<1x8x50xi32, #tpu.memory_space<vmem>> -> memref<8x50xi32, #tpu.memory_space<vmem>>
        %dma_start3A_105 = arith.constant 0 : i32
        %dma_start3A_106 = tpu.memref_slice %arg2[%add3A_93, %dma_start3A_105] : memref<4096x50xi32, #tpu.memory_space<hbm>> -> memref<8x50xi32, #tpu.memory_space<hbm>>
        tpu.enqueue_dma source(%dma_start3A_106 : memref<8x50xi32, #tpu.memory_space<hbm>>) target(%dma_start3A_104 : memref<8x50xi32, #tpu.memory_space<vmem>>) target_semaphore(%arg9 : memref<!tpu.dma_semaphore, #tpu.memory_space<semaphore_mem>>)
      } else {
      }
      %scan3A_56 = arith.constant 0 : i32
      %scan3A_57 = arith.constant 8 : i32
      %scan3A_58 = arith.addi %scan3A_56, %scan3A_57 : i32
      %scan3A_59 = arith.constant 1 : i32
      scf.for %scan3A_92 = %scan3A_56 to %scan3A_58 step %scan3A_59  : i32 {
        %get3A = arith.constant 0 : i32
        %get3A_93 = arith.constant 0 : i32
        %get3A_94 = tpu.memref_slice %arg5[%rem3A_41, %get3A, %get3A_93] : memref<2x8x50xi32, #tpu.memory_space<vmem>> -> memref<1x8x50xi32, #tpu.memory_space<vmem>>
        %get3A_95 = tpu.memref_squeeze %get3A_94 : memref<1x8x50xi32, #tpu.memory_space<vmem>> -> memref<8x50xi32, #tpu.memory_space<vmem>>
        %get3A_96 = arith.index_cast %scan3A_92 : i32 to index
        %get3A_97 = arith.constant 0 : index
        %get3A_98 = tpu.vector_load %get3A_95[%get3A_96, %get3A_97] {strides = array<i32>} : memref<8x50xi32, #tpu.memory_space<vmem>>, vector<1x16xi32>,
        %get3A_99 = vector.shape_cast %get3A_98 : vector<1x16xi32> to vector<16xi32>
        %get3A_100 = arith.constant 0 : i32
        %get3A_101 = arith.constant 0 : i32
        %get3A_102 = tpu.memref_slice %arg5[%rem3A_41, %get3A_100, %get3A_101] : memref<2x8x50xi32, #tpu.memory_space<vmem>> -> memref<1x8x50xi32, #tpu.memory_space<vmem>>
        %get3A_103 = tpu.memref_squeeze %get3A_102 : memref<1x8x50xi32, #tpu.memory_space<vmem>> -> memref<8x50xi32, #tpu.memory_space<vmem>>
        %get3A_104 = arith.index_cast %scan3A_92 : i32 to index
        %get3A_105 = arith.constant 16 : index
        %get3A_106 = tpu.vector_load %get3A_103[%get3A_104, %get3A_105] {strides = array<i32>} : memref<8x50xi32, #tpu.memory_space<vmem>>, vector<1x16xi32>,
        %get3A_107 = vector.shape_cast %get3A_106 : vector<1x16xi32> to vector<16xi32>
        %get3A_108 = arith.constant 0 : i32
        %get3A_109 = arith.constant 0 : i32
        %get3A_110 = tpu.memref_slice %arg5[%rem3A_41, %get3A_108, %get3A_109] : memref<2x8x50xi32, #tpu.memory_space<vmem>> -> memref<1x8x50xi32, #tpu.memory_space<vmem>>
        %get3A_111 = tpu.memref_squeeze %get3A_110 : memref<1x8x50xi32, #tpu.memory_space<vmem>> -> memref<8x50xi32, #tpu.memory_space<vmem>>
        %get3A_112 = arith.index_cast %scan3A_92 : i32 to index
        %get3A_113 = arith.constant 32 : index
        %get3A_114 = tpu.vector_load %get3A_111[%get3A_112, %get3A_113] {strides = array<i32>} : memref<8x50xi32, #tpu.memory_space<vmem>>, vector<1x16xi32>,
        %get3A_115 = vector.shape_cast %get3A_114 : vector<1x16xi32> to vector<16xi32>
        %get3A_116 = arith.constant 0 : i32
        %get3A_117 = arith.constant 0 : i32
        %get3A_118 = tpu.memref_slice %arg5[%rem3A_41, %get3A_116, %get3A_117] : memref<2x8x50xi32, #tpu.memory_space<vmem>> -> memref<1x8x50xi32, #tpu.memory_space<vmem>>
        %get3A_119 = tpu.memref_squeeze %get3A_118 : memref<1x8x50xi32, #tpu.memory_space<vmem>> -> memref<8x50xi32, #tpu.memory_space<vmem>>
        %get3A_120 = arith.index_cast %scan3A_92 : i32 to index
        %get3A_121 = arith.constant 34 : index
        %get3A_122 = tpu.vector_load %get3A_119[%get3A_120, %get3A_121] {strides = array<i32>} : memref<8x50xi32, #tpu.memory_space<vmem>>, vector<1x16xi32>,
        %get3A_123 = vector.shape_cast %get3A_122 : vector<1x16xi32> to vector<16xi32>
        %slice3A = vector.extract_strided_slice %get3A_99 {offsets = [0], sizes = [1], strides = [1]} : vector<16xi32> to vector<1xi32>
        %squeeze3A = vector.extract %slice3A[0] : i32 from vector<1xi32>
        %dma_start3A_124 = arith.constant 0 : i32
        %dma_start3A_125 = arith.constant 0 : i32
        %dma_start3A_126 = tpu.memref_slice %arg6[%rem3A_41, %scan3A_92, %dma_start3A_124, %dma_start3A_125] : memref<2x8x50x32xf32, #tpu.memory_space<vmem>> -> memref<1x1x1x32xf32, #tpu.memory_space<vmem>>
        %dma_start3A_127 = tpu.memref_squeeze %dma_start3A_126 : memref<1x1x1x32xf32, #tpu.memory_space<vmem>> -> memref<32xf32, #tpu.memory_space<vmem>>
        %dma_start3A_128 = arith.constant 0 : i32
        %dma_start3A_129 = tpu.memref_slice %arg3[%squeeze3A, %dma_start3A_128] : memref<1000000x32xf32, #tpu.memory_space<hbm>> -> memref<1x32xf32, #tpu.memory_space<hbm>>
        %dma_start3A_130 = tpu.memref_squeeze %dma_start3A_129 : memref<1x32xf32, #tpu.memory_space<hbm>> -> memref<32xf32, #tpu.memory_space<hbm>>
        %dma_start3A_131 = arith.constant 0 : i32
        %dma_start3A_132 = tpu.memref_slice %arg6[%rem3A_41, %scan3A_92, %dma_start3A_124, %dma_start3A_131] : memref<2x8x50x32xf32, #tpu.memory_space<vmem>> -> memref<1x1x1x32xf32, #tpu.memory_space<vmem>>
        %dma_start3A_133 = tpu.memref_squeeze %dma_start3A_132 : memref<1x1x1x32xf32, #tpu.memory_space<vmem>> -> memref<32xf32, #tpu.memory_space<vmem>>
        %dma_start3A_134 = arith.constant 0 : i32
        %dma_start3A_135 = tpu.memref_slice %arg3[%squeeze3A, %dma_start3A_134] : memref<1000000x32xf32, #tpu.memory_space<hbm>> -> memref<1x32xf32, #tpu.memory_space<hbm>>
        %dma_start3A_136 = tpu.memref_squeeze %dma_start3A_135 : memref<1x32xf32, #tpu.memory_space<hbm>> -> memref<32xf32, #tpu.memory_space<hbm>>
        tpu.enqueue_dma source(%dma_start3A_136 : memref<32xf32, #tpu.memory_space<hbm>>) target(%dma_start3A_133 : memref<32xf32, #tpu.memory_space<vmem>>) target_semaphore(%arg7 : memref<!tpu.dma_semaphore, #tpu.memory_space<semaphore_mem>>)
        %slice3A_137 = vector.extract_strided_slice %get3A_99 {offsets = [1], sizes = [1], strides = [1]} : vector<16xi32> to vector<1xi32>
        %squeeze3A_138 = vector.extract %slice3A_137[0] : i32 from vector<1xi32>
        %dma_start3A_139 = arith.constant 1 : i32
        %dma_start3A_140 = arith.constant 0 : i32
        %dma_start3A_141 = tpu.memref_slice %arg6[%rem3A_41, %scan3A_92, %dma_start3A_139, %dma_start3A_140] : memref<2x8x50x32xf32, #tpu.memory_space<vmem>> -> memref<1x1x1x32xf32, #tpu.memory_space<vmem>>
        %dma_start3A_142 = tpu.memref_squeeze %dma_start3A_141 : memref<1x1x1x32xf32, #tpu.memory_space<vmem>> -> memref<32xf32, #tpu.memory_space<vmem>>
        %dma_start3A_143 = arith.constant 0 : i32
        %dma_start3A_144 = tpu.memref_slice %arg3[%squeeze3A_138, %dma_start3A_143] : memref<1000000x32xf32, #tpu.memory_space<hbm>> -> memref<1x32xf32, #tpu.memory_space<hbm>>
        %dma_start3A_145 = tpu.memref_squeeze %dma_start3A_144 : memref<1x32xf32, #tpu.memory_space<hbm>> -> memref<32xf32, #tpu.memory_space<hbm>>
        %dma_start3A_146 = arith.constant 0 : i32
        %dma_start3A_147 = tpu.memref_slice %arg6[%rem3A_41, %scan3A_92, %dma_start3A_139, %dma_start3A_146] : memref<2x8x50x32xf32, #tpu.memory_space<vmem>> -> memref<1x1x1x32xf32, #tpu.memory_space<vmem>>
        %dma_start3A_148 = tpu.memref_squeeze %dma_start3A_147 : memref<1x1x1x32xf32, #tpu.memory_space<vmem>> -> memref<32xf32, #tpu.memory_space<vmem>>
        %dma_start3A_149 = arith.constant 0 : i32
        %dma_start3A_150 = tpu.memref_slice %arg3[%squeeze3A_138, %dma_start3A_149] : memref<1000000x32xf32, #tpu.memory_space<hbm>> -> memref<1x32xf32, #tpu.memory_space<hbm>>
        %dma_start3A_151 = tpu.memref_squeeze %dma_start3A_150 : memref<1x32xf32, #tpu.memory_space<hbm>> -> memref<32xf32, #tpu.memory_space<hbm>>
        tpu.enqueue_dma source(%dma_start3A_151 : memref<32xf32, #tpu.memory_space<hbm>>) target(%dma_start3A_148 : memref<32xf32, #tpu.memory_space<vmem>>) target_semaphore(%arg7 : memref<!tpu.dma_semaphore, #tpu.memory_space<semaphore_mem>>)
        %slice3A_152 = vector.extract_strided_slice %get3A_99 {offsets = [2], sizes = [1], strides = [1]} : vector<16xi32> to vector<1xi32>
        %squeeze3A_153 = vector.extract %slice3A_152[0] : i32 from vector<1xi32>
        %dma_start3A_154 = arith.constant 2 : i32
        %dma_start3A_155 = arith.constant 0 : i32
        %dma_start3A_156 = tpu.memref_slice %arg6[%rem3A_41, %scan3A_92, %dma_start3A_154, %dma_start3A_155] : memref<2x8x50x32xf32, #tpu.memory_space<vmem>> -> memref<1x1x1x32xf32, #tpu.memory_space<vmem>>
        %dma_start3A_157 = tpu.memref_squeeze %dma_start3A_156 : memref<1x1x1x32xf32, #tpu.memory_space<vmem>> -> memref<32xf32, #tpu.memory_space<vmem>>
        %dma_start3A_158 = arith.constant 0 : i32
        %dma_start3A_159 = tpu.memref_slice %arg3[%squeeze3A_153, %dma_start3A_158] : memref<1000000x32xf32, #tpu.memory_space<hbm>> -> memref<1x32xf32, #tpu.memory_space<hbm>>
        %dma_start3A_160 = tpu.memref_squeeze %dma_start3A_159 : memref<1x32xf32, #tpu.memory_space<hbm>> -> memref<32xf32, #tpu.memory_space<hbm>>
        %dma_start3A_161 = arith.constant 0 : i32
        %dma_start3A_162 = tpu.memref_slice %arg6[%rem3A_41, %scan3A_92, %dma_start3A_154, %dma_start3A_161] : memref<2x8x50x32xf32, #tpu.memory_space<vmem>> -> memref<1x1x1x32xf32, #tpu.memory_space<vmem>>
        %dma_start3A_163 = tpu.memref_squeeze %dma_start3A_162 : memref<1x1x1x32xf32, #tpu.memory_space<vmem>> -> memref<32xf32, #tpu.memory_space<vmem>>
        %dma_start3A_164 = arith.constant 0 : i32
        %dma_start3A_165 = tpu.memref_slice %arg3[%squeeze3A_153, %dma_start3A_164] : memref<1000000x32xf32, #tpu.memory_space<hbm>> -> memref<1x32xf32, #tpu.memory_space<hbm>>
        %dma_start3A_166 = tpu.memref_squeeze %dma_start3A_165 : memref<1x32xf32, #tpu.memory_space<hbm>> -> memref<32xf32, #tpu.memory_space<hbm>>
        tpu.enqueue_dma source(%dma_start3A_166 : memref<32xf32, #tpu.memory_space<hbm>>) target(%dma_start3A_163 : memref<32xf32, #tpu.memory_space<vmem>>) target_semaphore(%arg7 : memref<!tpu.dma_semaphore, #tpu.memory_space<semaphore_mem>>)
        %slice3A_167 = vector.extract_strided_slice %get3A_99 {offsets = [3], sizes = [1], strides = [1]} : vector<16xi32> to vector<1xi32>
        %squeeze3A_168 = vector.extract %slice3A_167[0] : i32 from vector<1xi32>
        %dma_start3A_169 = arith.constant 3 : i32
        %dma_start3A_170 = arith.constant 0 : i32
        %dma_start3A_171 = tpu.memref_slice %arg6[%rem3A_41, %scan3A_92, %dma_start3A_169, %dma_start3A_170] : memref<2x8x50x32xf32, #tpu.memory_space<vmem>> -> memref<1x1x1x32xf32, #tpu.memory_space<vmem>>
        %dma_start3A_172 = tpu.memref_squeeze %dma_start3A_171 : memref<1x1x1x32xf32, #tpu.memory_space<vmem>> -> memref<32xf32, #tpu.memory_space<vmem>>
        %dma_start3A_173 = arith.constant 0 : i32
        %dma_start3A_174 = tpu.memref_slice %arg3[%squeeze3A_168, %dma_start3A_173] : memref<1000000x32xf32, #tpu.memory_space<hbm>> -> memref<1x32xf32, #tpu.memory_space<hbm>>
        %dma_start3A_175 = tpu.memref_squeeze %dma_start3A_174 : memref<1x32xf32, #tpu.memory_space<hbm>> -> memref<32xf32, #tpu.memory_space<hbm>>
        %dma_start3A_176 = arith.constant 0 : i32
        %dma_start3A_177 = tpu.memref_slice %arg6[%rem3A_41, %scan3A_92, %dma_start3A_169, %dma_start3A_176] : memref<2x8x50x32xf32, #tpu.memory_space<vmem>> -> memref<1x1x1x32xf32, #tpu.memory_space<vmem>>
        %dma_start3A_178 = tpu.memref_squeeze %dma_start3A_177 : memref<1x1x1x32xf32, #tpu.memory_space<vmem>> -> memref<32xf32, #tpu.memory_space<vmem>>
        %dma_start3A_179 = arith.constant 0 : i32
        %dma_start3A_180 = tpu.memref_slice %arg3[%squeeze3A_168, %dma_start3A_179] : memref<1000000x32xf32, #tpu.memory_space<hbm>> -> memref<1x32xf32, #tpu.memory_space<hbm>>
        %dma_start3A_181 = tpu.memref_squeeze %dma_start3A_180 : memref<1x32xf32, #tpu.memory_space<hbm>> -> memref<32xf32, #tpu.memory_space<hbm>>
        tpu.enqueue_dma source(%dma_start3A_181 : memref<32xf32, #tpu.memory_space<hbm>>) target(%dma_start3A_178 : memref<32xf32, #tpu.memory_space<vmem>>) target_semaphore(%arg7 : memref<!tpu.dma_semaphore, #tpu.memory_space<semaphore_mem>>)
        %slice3A_182 = vector.extract_strided_slice %get3A_99 {offsets = [4], sizes = [1], strides = [1]} : vector<16xi32> to vector<1xi32>
        %squeeze3A_183 = vector.extract %slice3A_182[0] : i32 from vector<1xi32>
        %dma_start3A_184 = arith.constant 4 : i32
        %dma_start3A_185 = arith.constant 0 : i32
        %dma_start3A_186 = tpu.memref_slice %arg6[%rem3A_41, %scan3A_92, %dma_start3A_184, %dma_start3A_185] : memref<2x8x50x32xf32, #tpu.memory_space<vmem>> -> memref<1x1x1x32xf32, #tpu.memory_space<vmem>>
        %dma_start3A_187 = tpu.memref_squeeze %dma_start3A_186 : memref<1x1x1x32xf32, #tpu.memory_space<vmem>> -> memref<32xf32, #tpu.memory_space<vmem>>
        %dma_start3A_188 = arith.constant 0 : i32
        %dma_start3A_189 = tpu.memref_slice %arg3[%squeeze3A_183, %dma_start3A_188] : memref<1000000x32xf32, #tpu.memory_space<hbm>> -> memref<1x32xf32, #tpu.memory_space<hbm>>
        %dma_start3A_190 = tpu.memref_squeeze %dma_start3A_189 : memref<1x32xf32, #tpu.memory_space<hbm>> -> memref<32xf32, #tpu.memory_space<hbm>>
        %dma_start3A_191 = arith.constant 0 : i32
        %dma_start3A_192 = tpu.memref_slice %arg6[%rem3A_41, %scan3A_92, %dma_start3A_184, %dma_start3A_191] : memref<2x8x50x32xf32, #tpu.memory_space<vmem>> -> memref<1x1x1x32xf32, #tpu.memory_space<vmem>>
        %dma_start3A_193 = tpu.memref_squeeze %dma_start3A_192 : memref<1x1x1x32xf32, #tpu.memory_space<vmem>> -> memref<32xf32, #tpu.memory_space<vmem>>
        %dma_start3A_194 = arith.constant 0 : i32
        %dma_start3A_195 = tpu.memref_slice %arg3[%squeeze3A_183, %dma_start3A_194] : memref<1000000x32xf32, #tpu.memory_space<hbm>> -> memref<1x32xf32, #tpu.memory_space<hbm>>
        %dma_start3A_196 = tpu.memref_squeeze %dma_start3A_195 : memref<1x32xf32, #tpu.memory_space<hbm>> -> memref<32xf32, #tpu.memory_space<hbm>>
        tpu.enqueue_dma source(%dma_start3A_196 : memref<32xf32, #tpu.memory_space<hbm>>) target(%dma_start3A_193 : memref<32xf32, #tpu.memory_space<vmem>>) target_semaphore(%arg7 : memref<!tpu.dma_semaphore, #tpu.memory_space<semaphore_mem>>)
        %slice3A_197 = vector.extract_strided_slice %get3A_99 {offsets = [5], sizes = [1], strides = [1]} : vector<16xi32> to vector<1xi32>
        %squeeze3A_198 = vector.extract %slice3A_197[0] : i32 from vector<1xi32>
        %dma_start3A_199 = arith.constant 5 : i32
        %dma_start3A_200 = arith.constant 0 : i32
        %dma_start3A_201 = tpu.memref_slice %arg6[%rem3A_41, %scan3A_92, %dma_start3A_199, %dma_start3A_200] : memref<2x8x50x32xf32, #tpu.memory_space<vmem>> -> memref<1x1x1x32xf32, #tpu.memory_space<vmem>>
        %dma_start3A_202 = tpu.memref_squeeze %dma_start3A_201 : memref<1x1x1x32xf32, #tpu.memory_space<vmem>> -> memref<32xf32, #tpu.memory_space<vmem>>
        %dma_start3A_203 = arith.constant 0 : i32
        %dma_start3A_204 = tpu.memref_slice %arg3[%squeeze3A_198, %dma_start3A_203] : memref<1000000x32xf32, #tpu.memory_space<hbm>> -> memref<1x32xf32, #tpu.memory_space<hbm>>
        %dma_start3A_205 = tpu.memref_squeeze %dma_start3A_204 : memref<1x32xf32, #tpu.memory_space<hbm>> -> memref<32xf32, #tpu.memory_space<hbm>>
        %dma_start3A_206 = arith.constant 0 : i32
        %dma_start3A_207 = tpu.memref_slice %arg6[%rem3A_41, %scan3A_92, %dma_start3A_199, %dma_start3A_206] : memref<2x8x50x32xf32, #tpu.memory_space<vmem>> -> memref<1x1x1x32xf32, #tpu.memory_space<vmem>>
        %dma_start3A_208 = tpu.memref_squeeze %dma_start3A_207 : memref<1x1x1x32xf32, #tpu.memory_space<vmem>> -> memref<32xf32, #tpu.memory_space<vmem>>
        %dma_start3A_209 = arith.constant 0 : i32
        %dma_start3A_210 = tpu.memref_slice %arg3[%squeeze3A_198, %dma_start3A_209] : memref<1000000x32xf32, #tpu.memory_space<hbm>> -> memref<1x32xf32, #tpu.memory_space<hbm>>
        %dma_start3A_211 = tpu.memref_squeeze %dma_start3A_210 : memref<1x32xf32, #tpu.memory_space<hbm>> -> memref<32xf32, #tpu.memory_space<hbm>>
        tpu.enqueue_dma source(%dma_start3A_211 : memref<32xf32, #tpu.memory_space<hbm>>) target(%dma_start3A_208 : memref<32xf32, #tpu.memory_space<vmem>>) target_semaphore(%arg7 : memref<!tpu.dma_semaphore, #tpu.memory_space<semaphore_mem>>)
        %slice3A_212 = vector.extract_strided_slice %get3A_99 {offsets = [6], sizes = [1], strides = [1]} : vector<16xi32> to vector<1xi32>
        %squeeze3A_213 = vector.extract %slice3A_212[0] : i32 from vector<1xi32>
        %dma_start3A_214 = arith.constant 6 : i32
        %dma_start3A_215 = arith.constant 0 : i32
        %dma_start3A_216 = tpu.memref_slice %arg6[%rem3A_41, %scan3A_92, %dma_start3A_214, %dma_start3A_215] : memref<2x8x50x32xf32, #tpu.memory_space<vmem>> -> memref<1x1x1x32xf32, #tpu.memory_space<vmem>>
        %dma_start3A_217 = tpu.memref_squeeze %dma_start3A_216 : memref<1x1x1x32xf32, #tpu.memory_space<vmem>> -> memref<32xf32, #tpu.memory_space<vmem>>
        %dma_start3A_218 = arith.constant 0 : i32
        %dma_start3A_219 = tpu.memref_slice %arg3[%squeeze3A_213, %dma_start3A_218] : memref<1000000x32xf32, #tpu.memory_space<hbm>> -> memref<1x32xf32, #tpu.memory_space<hbm>>
        %dma_start3A_220 = tpu.memref_squeeze %dma_start3A_219 : memref<1x32xf32, #tpu.memory_space<hbm>> -> memref<32xf32, #tpu.memory_space<hbm>>
        %dma_start3A_221 = arith.constant 0 : i32
        %dma_start3A_222 = tpu.memref_slice %arg6[%rem3A_41, %scan3A_92, %dma_start3A_214, %dma_start3A_221] : memref<2x8x50x32xf32, #tpu.memory_space<vmem>> -> memref<1x1x1x32xf32, #tpu.memory_space<vmem>>
        %dma_start3A_223 = tpu.memref_squeeze %dma_start3A_222 : memref<1x1x1x32xf32, #tpu.memory_space<vmem>> -> memref<32xf32, #tpu.memory_space<vmem>>
        %dma_start3A_224 = arith.constant 0 : i32
        %dma_start3A_225 = tpu.memref_slice %arg3[%squeeze3A_213, %dma_start3A_224] : memref<1000000x32xf32, #tpu.memory_space<hbm>> -> memref<1x32xf32, #tpu.memory_space<hbm>>
        %dma_start3A_226 = tpu.memref_squeeze %dma_start3A_225 : memref<1x32xf32, #tpu.memory_space<hbm>> -> memref<32xf32, #tpu.memory_space<hbm>>
        tpu.enqueue_dma source(%dma_start3A_226 : memref<32xf32, #tpu.memory_space<hbm>>) target(%dma_start3A_223 : memref<32xf32, #tpu.memory_space<vmem>>) target_semaphore(%arg7 : memref<!tpu.dma_semaphore, #tpu.memory_space<semaphore_mem>>)
        %slice3A_227 = vector.extract_strided_slice %get3A_99 {offsets = [7], sizes = [1], strides = [1]} : vector<16xi32> to vector<1xi32>
        %squeeze3A_228 = vector.extract %slice3A_227[0] : i32 from vector<1xi32>
        %dma_start3A_229 = arith.constant 7 : i32
        %dma_start3A_230 = arith.constant 0 : i32
        %dma_start3A_231 = tpu.memref_slice %arg6[%rem3A_41, %scan3A_92, %dma_start3A_229, %dma_start3A_230] : memref<2x8x50x32xf32, #tpu.memory_space<vmem>> -> memref<1x1x1x32xf32, #tpu.memory_space<vmem>>
        %dma_start3A_232 = tpu.memref_squeeze %dma_start3A_231 : memref<1x1x1x32xf32, #tpu.memory_space<vmem>> -> memref<32xf32, #tpu.memory_space<vmem>>
        %dma_start3A_233 = arith.constant 0 : i32
        %dma_start3A_234 = tpu.memref_slice %arg3[%squeeze3A_228, %dma_start3A_233] : memref<1000000x32xf32, #tpu.memory_space<hbm>> -> memref<1x32xf32, #tpu.memory_space<hbm>>
        %dma_start3A_235 = tpu.memref_squeeze %dma_start3A_234 : memref<1x32xf32, #tpu.memory_space<hbm>> -> memref<32xf32, #tpu.memory_space<hbm>>
        %dma_start3A_236 = arith.constant 0 : i32
        %dma_start3A_237 = tpu.memref_slice %arg6[%rem3A_41, %scan3A_92, %dma_start3A_229, %dma_start3A_236] : memref<2x8x50x32xf32, #tpu.memory_space<vmem>> -> memref<1x1x1x32xf32, #tpu.memory_space<vmem>>
        %dma_start3A_238 = tpu.memref_squeeze %dma_start3A_237 : memref<1x1x1x32xf32, #tpu.memory_space<vmem>> -> memref<32xf32, #tpu.memory_space<vmem>>
        %dma_start3A_239 = arith.constant 0 : i32
        %dma_start3A_240 = tpu.memref_slice %arg3[%squeeze3A_228, %dma_start3A_239] : memref<1000000x32xf32, #tpu.memory_space<hbm>> -> memref<1x32xf32, #tpu.memory_space<hbm>>
        %dma_start3A_241 = tpu.memref_squeeze %dma_start3A_240 : memref<1x32xf32, #tpu.memory_space<hbm>> -> memref<32xf32, #tpu.memory_space<hbm>>
        tpu.enqueue_dma source(%dma_start3A_241 : memref<32xf32, #tpu.memory_space<hbm>>) target(%dma_start3A_238 : memref<32xf32, #tpu.memory_space<vmem>>) target_semaphore(%arg7 : memref<!tpu.dma_semaphore, #tpu.memory_space<semaphore_mem>>)
        %slice3A_242 = vector.extract_strided_slice %get3A_99 {offsets = [8], sizes = [1], strides = [1]} : vector<16xi32> to vector<1xi32>
        %squeeze3A_243 = vector.extract %slice3A_242[0] : i32 from vector<1xi32>
        %dma_start3A_244 = arith.constant 8 : i32
        %dma_start3A_245 = arith.constant 0 : i32
        %dma_start3A_246 = tpu.memref_slice %arg6[%rem3A_41, %scan3A_92, %dma_start3A_244, %dma_start3A_245] : memref<2x8x50x32xf32, #tpu.memory_space<vmem>> -> memref<1x1x1x32xf32, #tpu.memory_space<vmem>>
        %dma_start3A_247 = tpu.memref_squeeze %dma_start3A_246 : memref<1x1x1x32xf32, #tpu.memory_space<vmem>> -> memref<32xf32, #tpu.memory_space<vmem>>
        %dma_start3A_248 = arith.constant 0 : i32
        %dma_start3A_249 = tpu.memref_slice %arg3[%squeeze3A_243, %dma_start3A_248] : memref<1000000x32xf32, #tpu.memory_space<hbm>> -> memref<1x32xf32, #tpu.memory_space<hbm>>
        %dma_start3A_250 = tpu.memref_squeeze %dma_start3A_249 : memref<1x32xf32, #tpu.memory_space<hbm>> -> memref<32xf32, #tpu.memory_space<hbm>>
        %dma_start3A_251 = arith.constant 0 : i32
        %dma_start3A_252 = tpu.memref_slice %arg6[%rem3A_41, %scan3A_92, %dma_start3A_244, %dma_start3A_251] : memref<2x8x50x32xf32, #tpu.memory_space<vmem>> -> memref<1x1x1x32xf32, #tpu.memory_space<vmem>>
        %dma_start3A_253 = tpu.memref_squeeze %dma_start3A_252 : memref<1x1x1x32xf32, #tpu.memory_space<vmem>> -> memref<32xf32, #tpu.memory_space<vmem>>
        %dma_start3A_254 = arith.constant 0 : i32
        %dma_start3A_255 = tpu.memref_slice %arg3[%squeeze3A_243, %dma_start3A_254] : memref<1000000x32xf32, #tpu.memory_space<hbm>> -> memref<1x32xf32, #tpu.memory_space<hbm>>
        %dma_start3A_256 = tpu.memref_squeeze %dma_start3A_255 : memref<1x32xf32, #tpu.memory_space<hbm>> -> memref<32xf32, #tpu.memory_space<hbm>>
        tpu.enqueue_dma source(%dma_start3A_256 : memref<32xf32, #tpu.memory_space<hbm>>) target(%dma_start3A_253 : memref<32xf32, #tpu.memory_space<vmem>>) target_semaphore(%arg7 : memref<!tpu.dma_semaphore, #tpu.memory_space<semaphore_mem>>)
        %slice3A_257 = vector.extract_strided_slice %get3A_99 {offsets = [9], sizes = [1], strides = [1]} : vector<16xi32> to vector<1xi32>
        %squeeze3A_258 = vector.extract %slice3A_257[0] : i32 from vector<1xi32>
        %dma_start3A_259 = arith.constant 9 : i32
        %dma_start3A_260 = arith.constant 0 : i32
        %dma_start3A_261 = tpu.memref_slice %arg6[%rem3A_41, %scan3A_92, %dma_start3A_259, %dma_start3A_260] : memref<2x8x50x32xf32, #tpu.memory_space<vmem>> -> memref<1x1x1x32xf32, #tpu.memory_space<vmem>>
        %dma_start3A_262 = tpu.memref_squeeze %dma_start3A_261 : memref<1x1x1x32xf32, #tpu.memory_space<vmem>> -> memref<32xf32, #tpu.memory_space<vmem>>
        %dma_start3A_263 = arith.constant 0 : i32
        %dma_start3A_264 = tpu.memref_slice %arg3[%squeeze3A_258, %dma_start3A_263] : memref<1000000x32xf32, #tpu.memory_space<hbm>> -> memref<1x32xf32, #tpu.memory_space<hbm>>
        %dma_start3A_265 = tpu.memref_squeeze %dma_start3A_264 : memref<1x32xf32, #tpu.memory_space<hbm>> -> memref<32xf32, #tpu.memory_space<hbm>>
        %dma_start3A_266 = arith.constant 0 : i32
        %dma_start3A_267 = tpu.memref_slice %arg6[%rem3A_41, %scan3A_92, %dma_start3A_259, %dma_start3A_266] : memref<2x8x50x32xf32, #tpu.memory_space<vmem>> -> memref<1x1x1x32xf32, #tpu.memory_space<vmem>>
        %dma_start3A_268 = tpu.memref_squeeze %dma_start3A_267 : memref<1x1x1x32xf32, #tpu.memory_space<vmem>> -> memref<32xf32, #tpu.memory_space<vmem>>
        %dma_start3A_269 = arith.constant 0 : i32
        %dma_start3A_270 = tpu.memref_slice %arg3[%squeeze3A_258, %dma_start3A_269] : memref<1000000x32xf32, #tpu.memory_space<hbm>> -> memref<1x32xf32, #tpu.memory_space<hbm>>
        %dma_start3A_271 = tpu.memref_squeeze %dma_start3A_270 : memref<1x32xf32, #tpu.memory_space<hbm>> -> memref<32xf32, #tpu.memory_space<hbm>>
        tpu.enqueue_dma source(%dma_start3A_271 : memref<32xf32, #tpu.memory_space<hbm>>) target(%dma_start3A_268 : memref<32xf32, #tpu.memory_space<vmem>>) target_semaphore(%arg7 : memref<!tpu.dma_semaphore, #tpu.memory_space<semaphore_mem>>)
        %slice3A_272 = vector.extract_strided_slice %get3A_99 {offsets = [10], sizes = [1], strides = [1]} : vector<16xi32> to vector<1xi32>
        %squeeze3A_273 = vector.extract %slice3A_272[0] : i32 from vector<1xi32>
        %dma_start3A_274 = arith.constant 10 : i32
        %dma_start3A_275 = arith.constant 0 : i32
        %dma_start3A_276 = tpu.memref_slice %arg6[%rem3A_41, %scan3A_92, %dma_start3A_274, %dma_start3A_275] : memref<2x8x50x32xf32, #tpu.memory_space<vmem>> -> memref<1x1x1x32xf32, #tpu.memory_space<vmem>>
        %dma_start3A_277 = tpu.memref_squeeze %dma_start3A_276 : memref<1x1x1x32xf32, #tpu.memory_space<vmem>> -> memref<32xf32, #tpu.memory_space<vmem>>
        %dma_start3A_278 = arith.constant 0 : i32
        %dma_start3A_279 = tpu.memref_slice %arg3[%squeeze3A_273, %dma_start3A_278] : memref<1000000x32xf32, #tpu.memory_space<hbm>> -> memref<1x32xf32, #tpu.memory_space<hbm>>
        %dma_start3A_280 = tpu.memref_squeeze %dma_start3A_279 : memref<1x32xf32, #tpu.memory_space<hbm>> -> memref<32xf32, #tpu.memory_space<hbm>>
        %dma_start3A_281 = arith.constant 0 : i32
        %dma_start3A_282 = tpu.memref_slice %arg6[%rem3A_41, %scan3A_92, %dma_start3A_274, %dma_start3A_281] : memref<2x8x50x32xf32, #tpu.memory_space<vmem>> -> memref<1x1x1x32xf32, #tpu.memory_space<vmem>>
        %dma_start3A_283 = tpu.memref_squeeze %dma_start3A_282 : memref<1x1x1x32xf32, #tpu.memory_space<vmem>> -> memref<32xf32, #tpu.memory_space<vmem>>
        %dma_start3A_284 = arith.constant 0 : i32
        %dma_start3A_285 = tpu.memref_slice %arg3[%squeeze3A_273, %dma_start3A_284] : memref<1000000x32xf32, #tpu.memory_space<hbm>> -> memref<1x32xf32, #tpu.memory_space<hbm>>
        %dma_start3A_286 = tpu.memref_squeeze %dma_start3A_285 : memref<1x32xf32, #tpu.memory_space<hbm>> -> memref<32xf32, #tpu.memory_space<hbm>>
        tpu.enqueue_dma source(%dma_start3A_286 : memref<32xf32, #tpu.memory_space<hbm>>) target(%dma_start3A_283 : memref<32xf32, #tpu.memory_space<vmem>>) target_semaphore(%arg7 : memref<!tpu.dma_semaphore, #tpu.memory_space<semaphore_mem>>)
        %slice3A_287 = vector.extract_strided_slice %get3A_99 {offsets = [11], sizes = [1], strides = [1]} : vector<16xi32> to vector<1xi32>
        %squeeze3A_288 = vector.extract %slice3A_287[0] : i32 from vector<1xi32>
        %dma_start3A_289 = arith.constant 11 : i32
        %dma_start3A_290 = arith.constant 0 : i32
        %dma_start3A_291 = tpu.memref_slice %arg6[%rem3A_41, %scan3A_92, %dma_start3A_289, %dma_start3A_290] : memref<2x8x50x32xf32, #tpu.memory_space<vmem>> -> memref<1x1x1x32xf32, #tpu.memory_space<vmem>>
        %dma_start3A_292 = tpu.memref_squeeze %dma_start3A_291 : memref<1x1x1x32xf32, #tpu.memory_space<vmem>> -> memref<32xf32, #tpu.memory_space<vmem>>
        %dma_start3A_293 = arith.constant 0 : i32
        %dma_start3A_294 = tpu.memref_slice %arg3[%squeeze3A_288, %dma_start3A_293] : memref<1000000x32xf32, #tpu.memory_space<hbm>> -> memref<1x32xf32, #tpu.memory_space<hbm>>
        %dma_start3A_295 = tpu.memref_squeeze %dma_start3A_294 : memref<1x32xf32, #tpu.memory_space<hbm>> -> memref<32xf32, #tpu.memory_space<hbm>>
        %dma_start3A_296 = arith.constant 0 : i32
        %dma_start3A_297 = tpu.memref_slice %arg6[%rem3A_41, %scan3A_92, %dma_start3A_289, %dma_start3A_296] : memref<2x8x50x32xf32, #tpu.memory_space<vmem>> -> memref<1x1x1x32xf32, #tpu.memory_space<vmem>>
        %dma_start3A_298 = tpu.memref_squeeze %dma_start3A_297 : memref<1x1x1x32xf32, #tpu.memory_space<vmem>> -> memref<32xf32, #tpu.memory_space<vmem>>
        %dma_start3A_299 = arith.constant 0 : i32
        %dma_start3A_300 = tpu.memref_slice %arg3[%squeeze3A_288, %dma_start3A_299] : memref<1000000x32xf32, #tpu.memory_space<hbm>> -> memref<1x32xf32, #tpu.memory_space<hbm>>
        %dma_start3A_301 = tpu.memref_squeeze %dma_start3A_300 : memref<1x32xf32, #tpu.memory_space<hbm>> -> memref<32xf32, #tpu.memory_space<hbm>>
        tpu.enqueue_dma source(%dma_start3A_301 : memref<32xf32, #tpu.memory_space<hbm>>) target(%dma_start3A_298 : memref<32xf32, #tpu.memory_space<vmem>>) target_semaphore(%arg7 : memref<!tpu.dma_semaphore, #tpu.memory_space<semaphore_mem>>)
        %slice3A_302 = vector.extract_strided_slice %get3A_99 {offsets = [12], sizes = [1], strides = [1]} : vector<16xi32> to vector<1xi32>
        %squeeze3A_303 = vector.extract %slice3A_302[0] : i32 from vector<1xi32>
        %dma_start3A_304 = arith.constant 12 : i32
        %dma_start3A_305 = arith.constant 0 : i32
        %dma_start3A_306 = tpu.memref_slice %arg6[%rem3A_41, %scan3A_92, %dma_start3A_304, %dma_start3A_305] : memref<2x8x50x32xf32, #tpu.memory_space<vmem>> -> memref<1x1x1x32xf32, #tpu.memory_space<vmem>>
        %dma_start3A_307 = tpu.memref_squeeze %dma_start3A_306 : memref<1x1x1x32xf32, #tpu.memory_space<vmem>> -> memref<32xf32, #tpu.memory_space<vmem>>
        %dma_start3A_308 = arith.constant 0 : i32
        %dma_start3A_309 = tpu.memref_slice %arg3[%squeeze3A_303, %dma_start3A_308] : memref<1000000x32xf32, #tpu.memory_space<hbm>> -> memref<1x32xf32, #tpu.memory_space<hbm>>
        %dma_start3A_310 = tpu.memref_squeeze %dma_start3A_309 : memref<1x32xf32, #tpu.memory_space<hbm>> -> memref<32xf32, #tpu.memory_space<hbm>>
        %dma_start3A_311 = arith.constant 0 : i32
        %dma_start3A_312 = tpu.memref_slice %arg6[%rem3A_41, %scan3A_92, %dma_start3A_304, %dma_start3A_311] : memref<2x8x50x32xf32, #tpu.memory_space<vmem>> -> memref<1x1x1x32xf32, #tpu.memory_space<vmem>>
        %dma_start3A_313 = tpu.memref_squeeze %dma_start3A_312 : memref<1x1x1x32xf32, #tpu.memory_space<vmem>> -> memref<32xf32, #tpu.memory_space<vmem>>
        %dma_start3A_314 = arith.constant 0 : i32
        %dma_start3A_315 = tpu.memref_slice %arg3[%squeeze3A_303, %dma_start3A_314] : memref<1000000x32xf32, #tpu.memory_space<hbm>> -> memref<1x32xf32, #tpu.memory_space<hbm>>
        %dma_start3A_316 = tpu.memref_squeeze %dma_start3A_315 : memref<1x32xf32, #tpu.memory_space<hbm>> -> memref<32xf32, #tpu.memory_space<hbm>>
        tpu.enqueue_dma source(%dma_start3A_316 : memref<32xf32, #tpu.memory_space<hbm>>) target(%dma_start3A_313 : memref<32xf32, #tpu.memory_space<vmem>>) target_semaphore(%arg7 : memref<!tpu.dma_semaphore, #tpu.memory_space<semaphore_mem>>)
        %slice3A_317 = vector.extract_strided_slice %get3A_99 {offsets = [13], sizes = [1], strides = [1]} : vector<16xi32> to vector<1xi32>
        %squeeze3A_318 = vector.extract %slice3A_317[0] : i32 from vector<1xi32>
        %dma_start3A_319 = arith.constant 13 : i32
        %dma_start3A_320 = arith.constant 0 : i32
        %dma_start3A_321 = tpu.memref_slice %arg6[%rem3A_41, %scan3A_92, %dma_start3A_319, %dma_start3A_320] : memref<2x8x50x32xf32, #tpu.memory_space<vmem>> -> memref<1x1x1x32xf32, #tpu.memory_space<vmem>>
        %dma_start3A_322 = tpu.memref_squeeze %dma_start3A_321 : memref<1x1x1x32xf32, #tpu.memory_space<vmem>> -> memref<32xf32, #tpu.memory_space<vmem>>
        %dma_start3A_323 = arith.constant 0 : i32
        %dma_start3A_324 = tpu.memref_slice %arg3[%squeeze3A_318, %dma_start3A_323] : memref<1000000x32xf32, #tpu.memory_space<hbm>> -> memref<1x32xf32, #tpu.memory_space<hbm>>
        %dma_start3A_325 = tpu.memref_squeeze %dma_start3A_324 : memref<1x32xf32, #tpu.memory_space<hbm>> -> memref<32xf32, #tpu.memory_space<hbm>>
        %dma_start3A_326 = arith.constant 0 : i32
        %dma_start3A_327 = tpu.memref_slice %arg6[%rem3A_41, %scan3A_92, %dma_start3A_319, %dma_start3A_326] : memref<2x8x50x32xf32, #tpu.memory_space<vmem>> -> memref<1x1x1x32xf32, #tpu.memory_space<vmem>>
        %dma_start3A_328 = tpu.memref_squeeze %dma_start3A_327 : memref<1x1x1x32xf32, #tpu.memory_space<vmem>> -> memref<32xf32, #tpu.memory_space<vmem>>
        %dma_start3A_329 = arith.constant 0 : i32
        %dma_start3A_330 = tpu.memref_slice %arg3[%squeeze3A_318, %dma_start3A_329] : memref<1000000x32xf32, #tpu.memory_space<hbm>> -> memref<1x32xf32, #tpu.memory_space<hbm>>
        %dma_start3A_331 = tpu.memref_squeeze %dma_start3A_330 : memref<1x32xf32, #tpu.memory_space<hbm>> -> memref<32xf32, #tpu.memory_space<hbm>>
        tpu.enqueue_dma source(%dma_start3A_331 : memref<32xf32, #tpu.memory_space<hbm>>) target(%dma_start3A_328 : memref<32xf32, #tpu.memory_space<vmem>>) target_semaphore(%arg7 : memref<!tpu.dma_semaphore, #tpu.memory_space<semaphore_mem>>)
        %slice3A_332 = vector.extract_strided_slice %get3A_99 {offsets = [14], sizes = [1], strides = [1]} : vector<16xi32> to vector<1xi32>
        %squeeze3A_333 = vector.extract %slice3A_332[0] : i32 from vector<1xi32>
        %dma_start3A_334 = arith.constant 14 : i32
        %dma_start3A_335 = arith.constant 0 : i32
        %dma_start3A_336 = tpu.memref_slice %arg6[%rem3A_41, %scan3A_92, %dma_start3A_334, %dma_start3A_335] : memref<2x8x50x32xf32, #tpu.memory_space<vmem>> -> memref<1x1x1x32xf32, #tpu.memory_space<vmem>>
        %dma_start3A_337 = tpu.memref_squeeze %dma_start3A_336 : memref<1x1x1x32xf32, #tpu.memory_space<vmem>> -> memref<32xf32, #tpu.memory_space<vmem>>
        %dma_start3A_338 = arith.constant 0 : i32
        %dma_start3A_339 = tpu.memref_slice %arg3[%squeeze3A_333, %dma_start3A_338] : memref<1000000x32xf32, #tpu.memory_space<hbm>> -> memref<1x32xf32, #tpu.memory_space<hbm>>
        %dma_start3A_340 = tpu.memref_squeeze %dma_start3A_339 : memref<1x32xf32, #tpu.memory_space<hbm>> -> memref<32xf32, #tpu.memory_space<hbm>>
        %dma_start3A_341 = arith.constant 0 : i32
        %dma_start3A_342 = tpu.memref_slice %arg6[%rem3A_41, %scan3A_92, %dma_start3A_334, %dma_start3A_341] : memref<2x8x50x32xf32, #tpu.memory_space<vmem>> -> memref<1x1x1x32xf32, #tpu.memory_space<vmem>>
        %dma_start3A_343 = tpu.memref_squeeze %dma_start3A_342 : memref<1x1x1x32xf32, #tpu.memory_space<vmem>> -> memref<32xf32, #tpu.memory_space<vmem>>
        %dma_start3A_344 = arith.constant 0 : i32
        %dma_start3A_345 = tpu.memref_slice %arg3[%squeeze3A_333, %dma_start3A_344] : memref<1000000x32xf32, #tpu.memory_space<hbm>> -> memref<1x32xf32, #tpu.memory_space<hbm>>
        %dma_start3A_346 = tpu.memref_squeeze %dma_start3A_345 : memref<1x32xf32, #tpu.memory_space<hbm>> -> memref<32xf32, #tpu.memory_space<hbm>>
        tpu.enqueue_dma source(%dma_start3A_346 : memref<32xf32, #tpu.memory_space<hbm>>) target(%dma_start3A_343 : memref<32xf32, #tpu.memory_space<vmem>>) target_semaphore(%arg7 : memref<!tpu.dma_semaphore, #tpu.memory_space<semaphore_mem>>)
        %slice3A_347 = vector.extract_strided_slice %get3A_99 {offsets = [15], sizes = [1], strides = [1]} : vector<16xi32> to vector<1xi32>
        %squeeze3A_348 = vector.extract %slice3A_347[0] : i32 from vector<1xi32>
        %dma_start3A_349 = arith.constant 15 : i32
        %dma_start3A_350 = arith.constant 0 : i32
        %dma_start3A_351 = tpu.memref_slice %arg6[%rem3A_41, %scan3A_92, %dma_start3A_349, %dma_start3A_350] : memref<2x8x50x32xf32, #tpu.memory_space<vmem>> -> memref<1x1x1x32xf32, #tpu.memory_space<vmem>>
        %dma_start3A_352 = tpu.memref_squeeze %dma_start3A_351 : memref<1x1x1x32xf32, #tpu.memory_space<vmem>> -> memref<32xf32, #tpu.memory_space<vmem>>
        %dma_start3A_353 = arith.constant 0 : i32
        %dma_start3A_354 = tpu.memref_slice %arg3[%squeeze3A_348, %dma_start3A_353] : memref<1000000x32xf32, #tpu.memory_space<hbm>> -> memref<1x32xf32, #tpu.memory_space<hbm>>
        %dma_start3A_355 = tpu.memref_squeeze %dma_start3A_354 : memref<1x32xf32, #tpu.memory_space<hbm>> -> memref<32xf32, #tpu.memory_space<hbm>>
        %dma_start3A_356 = arith.constant 0 : i32
        %dma_start3A_357 = tpu.memref_slice %arg6[%rem3A_41, %scan3A_92, %dma_start3A_349, %dma_start3A_356] : memref<2x8x50x32xf32, #tpu.memory_space<vmem>> -> memref<1x1x1x32xf32, #tpu.memory_space<vmem>>
        %dma_start3A_358 = tpu.memref_squeeze %dma_start3A_357 : memref<1x1x1x32xf32, #tpu.memory_space<vmem>> -> memref<32xf32, #tpu.memory_space<vmem>>
        %dma_start3A_359 = arith.constant 0 : i32
        %dma_start3A_360 = tpu.memref_slice %arg3[%squeeze3A_348, %dma_start3A_359] : memref<1000000x32xf32, #tpu.memory_space<hbm>> -> memref<1x32xf32, #tpu.memory_space<hbm>>
        %dma_start3A_361 = tpu.memref_squeeze %dma_start3A_360 : memref<1x32xf32, #tpu.memory_space<hbm>> -> memref<32xf32, #tpu.memory_space<hbm>>
        tpu.enqueue_dma source(%dma_start3A_361 : memref<32xf32, #tpu.memory_space<hbm>>) target(%dma_start3A_358 : memref<32xf32, #tpu.memory_space<vmem>>) target_semaphore(%arg7 : memref<!tpu.dma_semaphore, #tpu.memory_space<semaphore_mem>>)
        %slice3A_362 = vector.extract_strided_slice %get3A_107 {offsets = [0], sizes = [1], strides = [1]} : vector<16xi32> to vector<1xi32>
        %squeeze3A_363 = vector.extract %slice3A_362[0] : i32 from vector<1xi32>
        %dma_start3A_364 = arith.constant 16 : i32
        %dma_start3A_365 = arith.constant 0 : i32
        %dma_start3A_366 = tpu.memref_slice %arg6[%rem3A_41, %scan3A_92, %dma_start3A_364, %dma_start3A_365] : memref<2x8x50x32xf32, #tpu.memory_space<vmem>> -> memref<1x1x1x32xf32, #tpu.memory_space<vmem>>
        %dma_start3A_367 = tpu.memref_squeeze %dma_start3A_366 : memref<1x1x1x32xf32, #tpu.memory_space<vmem>> -> memref<32xf32, #tpu.memory_space<vmem>>
        %dma_start3A_368 = arith.constant 0 : i32
        %dma_start3A_369 = tpu.memref_slice %arg3[%squeeze3A_363, %dma_start3A_368] : memref<1000000x32xf32, #tpu.memory_space<hbm>> -> memref<1x32xf32, #tpu.memory_space<hbm>>
        %dma_start3A_370 = tpu.memref_squeeze %dma_start3A_369 : memref<1x32xf32, #tpu.memory_space<hbm>> -> memref<32xf32, #tpu.memory_space<hbm>>
        %dma_start3A_371 = arith.constant 0 : i32
        %dma_start3A_372 = tpu.memref_slice %arg6[%rem3A_41, %scan3A_92, %dma_start3A_364, %dma_start3A_371] : memref<2x8x50x32xf32, #tpu.memory_space<vmem>> -> memref<1x1x1x32xf32, #tpu.memory_space<vmem>>
        %dma_start3A_373 = tpu.memref_squeeze %dma_start3A_372 : memref<1x1x1x32xf32, #tpu.memory_space<vmem>> -> memref<32xf32, #tpu.memory_space<vmem>>
        %dma_start3A_374 = arith.constant 0 : i32
        %dma_start3A_375 = tpu.memref_slice %arg3[%squeeze3A_363, %dma_start3A_374] : memref<1000000x32xf32, #tpu.memory_space<hbm>> -> memref<1x32xf32, #tpu.memory_space<hbm>>
        %dma_start3A_376 = tpu.memref_squeeze %dma_start3A_375 : memref<1x32xf32, #tpu.memory_space<hbm>> -> memref<32xf32, #tpu.memory_space<hbm>>
        tpu.enqueue_dma source(%dma_start3A_376 : memref<32xf32, #tpu.memory_space<hbm>>) target(%dma_start3A_373 : memref<32xf32, #tpu.memory_space<vmem>>) target_semaphore(%arg7 : memref<!tpu.dma_semaphore, #tpu.memory_space<semaphore_mem>>)
        %slice3A_377 = vector.extract_strided_slice %get3A_107 {offsets = [1], sizes = [1], strides = [1]} : vector<16xi32> to vector<1xi32>
        %squeeze3A_378 = vector.extract %slice3A_377[0] : i32 from vector<1xi32>
        %dma_start3A_379 = arith.constant 17 : i32
        %dma_start3A_380 = arith.constant 0 : i32
        %dma_start3A_381 = tpu.memref_slice %arg6[%rem3A_41, %scan3A_92, %dma_start3A_379, %dma_start3A_380] : memref<2x8x50x32xf32, #tpu.memory_space<vmem>> -> memref<1x1x1x32xf32, #tpu.memory_space<vmem>>
        %dma_start3A_382 = tpu.memref_squeeze %dma_start3A_381 : memref<1x1x1x32xf32, #tpu.memory_space<vmem>> -> memref<32xf32, #tpu.memory_space<vmem>>
        %dma_start3A_383 = arith.constant 0 : i32
        %dma_start3A_384 = tpu.memref_slice %arg3[%squeeze3A_378, %dma_start3A_383] : memref<1000000x32xf32, #tpu.memory_space<hbm>> -> memref<1x32xf32, #tpu.memory_space<hbm>>
        %dma_start3A_385 = tpu.memref_squeeze %dma_start3A_384 : memref<1x32xf32, #tpu.memory_space<hbm>> -> memref<32xf32, #tpu.memory_space<hbm>>
        %dma_start3A_386 = arith.constant 0 : i32
        %dma_start3A_387 = tpu.memref_slice %arg6[%rem3A_41, %scan3A_92, %dma_start3A_379, %dma_start3A_386] : memref<2x8x50x32xf32, #tpu.memory_space<vmem>> -> memref<1x1x1x32xf32, #tpu.memory_space<vmem>>
        %dma_start3A_388 = tpu.memref_squeeze %dma_start3A_387 : memref<1x1x1x32xf32, #tpu.memory_space<vmem>> -> memref<32xf32, #tpu.memory_space<vmem>>
        %dma_start3A_389 = arith.constant 0 : i32
        %dma_start3A_390 = tpu.memref_slice %arg3[%squeeze3A_378, %dma_start3A_389] : memref<1000000x32xf32, #tpu.memory_space<hbm>> -> memref<1x32xf32, #tpu.memory_space<hbm>>
        %dma_start3A_391 = tpu.memref_squeeze %dma_start3A_390 : memref<1x32xf32, #tpu.memory_space<hbm>> -> memref<32xf32, #tpu.memory_space<hbm>>
        tpu.enqueue_dma source(%dma_start3A_391 : memref<32xf32, #tpu.memory_space<hbm>>) target(%dma_start3A_388 : memref<32xf32, #tpu.memory_space<vmem>>) target_semaphore(%arg7 : memref<!tpu.dma_semaphore, #tpu.memory_space<semaphore_mem>>)
        %slice3A_392 = vector.extract_strided_slice %get3A_107 {offsets = [2], sizes = [1], strides = [1]} : vector<16xi32> to vector<1xi32>
        %squeeze3A_393 = vector.extract %slice3A_392[0] : i32 from vector<1xi32>
        %dma_start3A_394 = arith.constant 18 : i32
        %dma_start3A_395 = arith.constant 0 : i32
        %dma_start3A_396 = tpu.memref_slice %arg6[%rem3A_41, %scan3A_92, %dma_start3A_394, %dma_start3A_395] : memref<2x8x50x32xf32, #tpu.memory_space<vmem>> -> memref<1x1x1x32xf32, #tpu.memory_space<vmem>>
        %dma_start3A_397 = tpu.memref_squeeze %dma_start3A_396 : memref<1x1x1x32xf32, #tpu.memory_space<vmem>> -> memref<32xf32, #tpu.memory_space<vmem>>
        %dma_start3A_398 = arith.constant 0 : i32
        %dma_start3A_399 = tpu.memref_slice %arg3[%squeeze3A_393, %dma_start3A_398] : memref<1000000x32xf32, #tpu.memory_space<hbm>> -> memref<1x32xf32, #tpu.memory_space<hbm>>
        %dma_start3A_400 = tpu.memref_squeeze %dma_start3A_399 : memref<1x32xf32, #tpu.memory_space<hbm>> -> memref<32xf32, #tpu.memory_space<hbm>>
        %dma_start3A_401 = arith.constant 0 : i32
        %dma_start3A_402 = tpu.memref_slice %arg6[%rem3A_41, %scan3A_92, %dma_start3A_394, %dma_start3A_401] : memref<2x8x50x32xf32, #tpu.memory_space<vmem>> -> memref<1x1x1x32xf32, #tpu.memory_space<vmem>>
        %dma_start3A_403 = tpu.memref_squeeze %dma_start3A_402 : memref<1x1x1x32xf32, #tpu.memory_space<vmem>> -> memref<32xf32, #tpu.memory_space<vmem>>
        %dma_start3A_404 = arith.constant 0 : i32
        %dma_start3A_405 = tpu.memref_slice %arg3[%squeeze3A_393, %dma_start3A_404] : memref<1000000x32xf32, #tpu.memory_space<hbm>> -> memref<1x32xf32, #tpu.memory_space<hbm>>
        %dma_start3A_406 = tpu.memref_squeeze %dma_start3A_405 : memref<1x32xf32, #tpu.memory_space<hbm>> -> memref<32xf32, #tpu.memory_space<hbm>>
        tpu.enqueue_dma source(%dma_start3A_406 : memref<32xf32, #tpu.memory_space<hbm>>) target(%dma_start3A_403 : memref<32xf32, #tpu.memory_space<vmem>>) target_semaphore(%arg7 : memref<!tpu.dma_semaphore, #tpu.memory_space<semaphore_mem>>)
        %slice3A_407 = vector.extract_strided_slice %get3A_107 {offsets = [3], sizes = [1], strides = [1]} : vector<16xi32> to vector<1xi32>
        %squeeze3A_408 = vector.extract %slice3A_407[0] : i32 from vector<1xi32>
        %dma_start3A_409 = arith.constant 19 : i32
        %dma_start3A_410 = arith.constant 0 : i32
        %dma_start3A_411 = tpu.memref_slice %arg6[%rem3A_41, %scan3A_92, %dma_start3A_409, %dma_start3A_410] : memref<2x8x50x32xf32, #tpu.memory_space<vmem>> -> memref<1x1x1x32xf32, #tpu.memory_space<vmem>>
        %dma_start3A_412 = tpu.memref_squeeze %dma_start3A_411 : memref<1x1x1x32xf32, #tpu.memory_space<vmem>> -> memref<32xf32, #tpu.memory_space<vmem>>
        %dma_start3A_413 = arith.constant 0 : i32
        %dma_start3A_414 = tpu.memref_slice %arg3[%squeeze3A_408, %dma_start3A_413] : memref<1000000x32xf32, #tpu.memory_space<hbm>> -> memref<1x32xf32, #tpu.memory_space<hbm>>
        %dma_start3A_415 = tpu.memref_squeeze %dma_start3A_414 : memref<1x32xf32, #tpu.memory_space<hbm>> -> memref<32xf32, #tpu.memory_space<hbm>>
        %dma_start3A_416 = arith.constant 0 : i32
        %dma_start3A_417 = tpu.memref_slice %arg6[%rem3A_41, %scan3A_92, %dma_start3A_409, %dma_start3A_416] : memref<2x8x50x32xf32, #tpu.memory_space<vmem>> -> memref<1x1x1x32xf32, #tpu.memory_space<vmem>>
        %dma_start3A_418 = tpu.memref_squeeze %dma_start3A_417 : memref<1x1x1x32xf32, #tpu.memory_space<vmem>> -> memref<32xf32, #tpu.memory_space<vmem>>
        %dma_start3A_419 = arith.constant 0 : i32
        %dma_start3A_420 = tpu.memref_slice %arg3[%squeeze3A_408, %dma_start3A_419] : memref<1000000x32xf32, #tpu.memory_space<hbm>> -> memref<1x32xf32, #tpu.memory_space<hbm>>
        %dma_start3A_421 = tpu.memref_squeeze %dma_start3A_420 : memref<1x32xf32, #tpu.memory_space<hbm>> -> memref<32xf32, #tpu.memory_space<hbm>>
        tpu.enqueue_dma source(%dma_start3A_421 : memref<32xf32, #tpu.memory_space<hbm>>) target(%dma_start3A_418 : memref<32xf32, #tpu.memory_space<vmem>>) target_semaphore(%arg7 : memref<!tpu.dma_semaphore, #tpu.memory_space<semaphore_mem>>)
        %slice3A_422 = vector.extract_strided_slice %get3A_107 {offsets = [4], sizes = [1], strides = [1]} : vector<16xi32> to vector<1xi32>
        %squeeze3A_423 = vector.extract %slice3A_422[0] : i32 from vector<1xi32>
        %dma_start3A_424 = arith.constant 20 : i32
        %dma_start3A_425 = arith.constant 0 : i32
        %dma_start3A_426 = tpu.memref_slice %arg6[%rem3A_41, %scan3A_92, %dma_start3A_424, %dma_start3A_425] : memref<2x8x50x32xf32, #tpu.memory_space<vmem>> -> memref<1x1x1x32xf32, #tpu.memory_space<vmem>>
        %dma_start3A_427 = tpu.memref_squeeze %dma_start3A_426 : memref<1x1x1x32xf32, #tpu.memory_space<vmem>> -> memref<32xf32, #tpu.memory_space<vmem>>
        %dma_start3A_428 = arith.constant 0 : i32
        %dma_start3A_429 = tpu.memref_slice %arg3[%squeeze3A_423, %dma_start3A_428] : memref<1000000x32xf32, #tpu.memory_space<hbm>> -> memref<1x32xf32, #tpu.memory_space<hbm>>
        %dma_start3A_430 = tpu.memref_squeeze %dma_start3A_429 : memref<1x32xf32, #tpu.memory_space<hbm>> -> memref<32xf32, #tpu.memory_space<hbm>>
        %dma_start3A_431 = arith.constant 0 : i32
        %dma_start3A_432 = tpu.memref_slice %arg6[%rem3A_41, %scan3A_92, %dma_start3A_424, %dma_start3A_431] : memref<2x8x50x32xf32, #tpu.memory_space<vmem>> -> memref<1x1x1x32xf32, #tpu.memory_space<vmem>>
        %dma_start3A_433 = tpu.memref_squeeze %dma_start3A_432 : memref<1x1x1x32xf32, #tpu.memory_space<vmem>> -> memref<32xf32, #tpu.memory_space<vmem>>
        %dma_start3A_434 = arith.constant 0 : i32
        %dma_start3A_435 = tpu.memref_slice %arg3[%squeeze3A_423, %dma_start3A_434] : memref<1000000x32xf32, #tpu.memory_space<hbm>> -> memref<1x32xf32, #tpu.memory_space<hbm>>
        %dma_start3A_436 = tpu.memref_squeeze %dma_start3A_435 : memref<1x32xf32, #tpu.memory_space<hbm>> -> memref<32xf32, #tpu.memory_space<hbm>>
        tpu.enqueue_dma source(%dma_start3A_436 : memref<32xf32, #tpu.memory_space<hbm>>) target(%dma_start3A_433 : memref<32xf32, #tpu.memory_space<vmem>>) target_semaphore(%arg7 : memref<!tpu.dma_semaphore, #tpu.memory_space<semaphore_mem>>)
        %slice3A_437 = vector.extract_strided_slice %get3A_107 {offsets = [5], sizes = [1], strides = [1]} : vector<16xi32> to vector<1xi32>
        %squeeze3A_438 = vector.extract %slice3A_437[0] : i32 from vector<1xi32>
        %dma_start3A_439 = arith.constant 21 : i32
        %dma_start3A_440 = arith.constant 0 : i32
        %dma_start3A_441 = tpu.memref_slice %arg6[%rem3A_41, %scan3A_92, %dma_start3A_439, %dma_start3A_440] : memref<2x8x50x32xf32, #tpu.memory_space<vmem>> -> memref<1x1x1x32xf32, #tpu.memory_space<vmem>>
        %dma_start3A_442 = tpu.memref_squeeze %dma_start3A_441 : memref<1x1x1x32xf32, #tpu.memory_space<vmem>> -> memref<32xf32, #tpu.memory_space<vmem>>
        %dma_start3A_443 = arith.constant 0 : i32
        %dma_start3A_444 = tpu.memref_slice %arg3[%squeeze3A_438, %dma_start3A_443] : memref<1000000x32xf32, #tpu.memory_space<hbm>> -> memref<1x32xf32, #tpu.memory_space<hbm>>
        %dma_start3A_445 = tpu.memref_squeeze %dma_start3A_444 : memref<1x32xf32, #tpu.memory_space<hbm>> -> memref<32xf32, #tpu.memory_space<hbm>>
        %dma_start3A_446 = arith.constant 0 : i32
        %dma_start3A_447 = tpu.memref_slice %arg6[%rem3A_41, %scan3A_92, %dma_start3A_439, %dma_start3A_446] : memref<2x8x50x32xf32, #tpu.memory_space<vmem>> -> memref<1x1x1x32xf32, #tpu.memory_space<vmem>>
        %dma_start3A_448 = tpu.memref_squeeze %dma_start3A_447 : memref<1x1x1x32xf32, #tpu.memory_space<vmem>> -> memref<32xf32, #tpu.memory_space<vmem>>
        %dma_start3A_449 = arith.constant 0 : i32
        %dma_start3A_450 = tpu.memref_slice %arg3[%squeeze3A_438, %dma_start3A_449] : memref<1000000x32xf32, #tpu.memory_space<hbm>> -> memref<1x32xf32, #tpu.memory_space<hbm>>
        %dma_start3A_451 = tpu.memref_squeeze %dma_start3A_450 : memref<1x32xf32, #tpu.memory_space<hbm>> -> memref<32xf32, #tpu.memory_space<hbm>>
        tpu.enqueue_dma source(%dma_start3A_451 : memref<32xf32, #tpu.memory_space<hbm>>) target(%dma_start3A_448 : memref<32xf32, #tpu.memory_space<vmem>>) target_semaphore(%arg7 : memref<!tpu.dma_semaphore, #tpu.memory_space<semaphore_mem>>)
        %slice3A_452 = vector.extract_strided_slice %get3A_107 {offsets = [6], sizes = [1], strides = [1]} : vector<16xi32> to vector<1xi32>
        %squeeze3A_453 = vector.extract %slice3A_452[0] : i32 from vector<1xi32>
        %dma_start3A_454 = arith.constant 22 : i32
        %dma_start3A_455 = arith.constant 0 : i32
        %dma_start3A_456 = tpu.memref_slice %arg6[%rem3A_41, %scan3A_92, %dma_start3A_454, %dma_start3A_455] : memref<2x8x50x32xf32, #tpu.memory_space<vmem>> -> memref<1x1x1x32xf32, #tpu.memory_space<vmem>>
        %dma_start3A_457 = tpu.memref_squeeze %dma_start3A_456 : memref<1x1x1x32xf32, #tpu.memory_space<vmem>> -> memref<32xf32, #tpu.memory_space<vmem>>
        %dma_start3A_458 = arith.constant 0 : i32
        %dma_start3A_459 = tpu.memref_slice %arg3[%squeeze3A_453, %dma_start3A_458] : memref<1000000x32xf32, #tpu.memory_space<hbm>> -> memref<1x32xf32, #tpu.memory_space<hbm>>
        %dma_start3A_460 = tpu.memref_squeeze %dma_start3A_459 : memref<1x32xf32, #tpu.memory_space<hbm>> -> memref<32xf32, #tpu.memory_space<hbm>>
        %dma_start3A_461 = arith.constant 0 : i32
        %dma_start3A_462 = tpu.memref_slice %arg6[%rem3A_41, %scan3A_92, %dma_start3A_454, %dma_start3A_461] : memref<2x8x50x32xf32, #tpu.memory_space<vmem>> -> memref<1x1x1x32xf32, #tpu.memory_space<vmem>>
        %dma_start3A_463 = tpu.memref_squeeze %dma_start3A_462 : memref<1x1x1x32xf32, #tpu.memory_space<vmem>> -> memref<32xf32, #tpu.memory_space<vmem>>
        %dma_start3A_464 = arith.constant 0 : i32
        %dma_start3A_465 = tpu.memref_slice %arg3[%squeeze3A_453, %dma_start3A_464] : memref<1000000x32xf32, #tpu.memory_space<hbm>> -> memref<1x32xf32, #tpu.memory_space<hbm>>
        %dma_start3A_466 = tpu.memref_squeeze %dma_start3A_465 : memref<1x32xf32, #tpu.memory_space<hbm>> -> memref<32xf32, #tpu.memory_space<hbm>>
        tpu.enqueue_dma source(%dma_start3A_466 : memref<32xf32, #tpu.memory_space<hbm>>) target(%dma_start3A_463 : memref<32xf32, #tpu.memory_space<vmem>>) target_semaphore(%arg7 : memref<!tpu.dma_semaphore, #tpu.memory_space<semaphore_mem>>)
        %slice3A_467 = vector.extract_strided_slice %get3A_107 {offsets = [7], sizes = [1], strides = [1]} : vector<16xi32> to vector<1xi32>
        %squeeze3A_468 = vector.extract %slice3A_467[0] : i32 from vector<1xi32>
        %dma_start3A_469 = arith.constant 23 : i32
        %dma_start3A_470 = arith.constant 0 : i32
        %dma_start3A_471 = tpu.memref_slice %arg6[%rem3A_41, %scan3A_92, %dma_start3A_469, %dma_start3A_470] : memref<2x8x50x32xf32, #tpu.memory_space<vmem>> -> memref<1x1x1x32xf32, #tpu.memory_space<vmem>>
        %dma_start3A_472 = tpu.memref_squeeze %dma_start3A_471 : memref<1x1x1x32xf32, #tpu.memory_space<vmem>> -> memref<32xf32, #tpu.memory_space<vmem>>
        %dma_start3A_473 = arith.constant 0 : i32
        %dma_start3A_474 = tpu.memref_slice %arg3[%squeeze3A_468, %dma_start3A_473] : memref<1000000x32xf32, #tpu.memory_space<hbm>> -> memref<1x32xf32, #tpu.memory_space<hbm>>
        %dma_start3A_475 = tpu.memref_squeeze %dma_start3A_474 : memref<1x32xf32, #tpu.memory_space<hbm>> -> memref<32xf32, #tpu.memory_space<hbm>>
        %dma_start3A_476 = arith.constant 0 : i32
        %dma_start3A_477 = tpu.memref_slice %arg6[%rem3A_41, %scan3A_92, %dma_start3A_469, %dma_start3A_476] : memref<2x8x50x32xf32, #tpu.memory_space<vmem>> -> memref<1x1x1x32xf32, #tpu.memory_space<vmem>>
        %dma_start3A_478 = tpu.memref_squeeze %dma_start3A_477 : memref<1x1x1x32xf32, #tpu.memory_space<vmem>> -> memref<32xf32, #tpu.memory_space<vmem>>
        %dma_start3A_479 = arith.constant 0 : i32
        %dma_start3A_480 = tpu.memref_slice %arg3[%squeeze3A_468, %dma_start3A_479] : memref<1000000x32xf32, #tpu.memory_space<hbm>> -> memref<1x32xf32, #tpu.memory_space<hbm>>
        %dma_start3A_481 = tpu.memref_squeeze %dma_start3A_480 : memref<1x32xf32, #tpu.memory_space<hbm>> -> memref<32xf32, #tpu.memory_space<hbm>>
        tpu.enqueue_dma source(%dma_start3A_481 : memref<32xf32, #tpu.memory_space<hbm>>) target(%dma_start3A_478 : memref<32xf32, #tpu.memory_space<vmem>>) target_semaphore(%arg7 : memref<!tpu.dma_semaphore, #tpu.memory_space<semaphore_mem>>)
        %slice3A_482 = vector.extract_strided_slice %get3A_107 {offsets = [8], sizes = [1], strides = [1]} : vector<16xi32> to vector<1xi32>
        %squeeze3A_483 = vector.extract %slice3A_482[0] : i32 from vector<1xi32>
        %dma_start3A_484 = arith.constant 24 : i32
        %dma_start3A_485 = arith.constant 0 : i32
        %dma_start3A_486 = tpu.memref_slice %arg6[%rem3A_41, %scan3A_92, %dma_start3A_484, %dma_start3A_485] : memref<2x8x50x32xf32, #tpu.memory_space<vmem>> -> memref<1x1x1x32xf32, #tpu.memory_space<vmem>>
        %dma_start3A_487 = tpu.memref_squeeze %dma_start3A_486 : memref<1x1x1x32xf32, #tpu.memory_space<vmem>> -> memref<32xf32, #tpu.memory_space<vmem>>
        %dma_start3A_488 = arith.constant 0 : i32
        %dma_start3A_489 = tpu.memref_slice %arg3[%squeeze3A_483, %dma_start3A_488] : memref<1000000x32xf32, #tpu.memory_space<hbm>> -> memref<1x32xf32, #tpu.memory_space<hbm>>
        %dma_start3A_490 = tpu.memref_squeeze %dma_start3A_489 : memref<1x32xf32, #tpu.memory_space<hbm>> -> memref<32xf32, #tpu.memory_space<hbm>>
        %dma_start3A_491 = arith.constant 0 : i32
        %dma_start3A_492 = tpu.memref_slice %arg6[%rem3A_41, %scan3A_92, %dma_start3A_484, %dma_start3A_491] : memref<2x8x50x32xf32, #tpu.memory_space<vmem>> -> memref<1x1x1x32xf32, #tpu.memory_space<vmem>>
        %dma_start3A_493 = tpu.memref_squeeze %dma_start3A_492 : memref<1x1x1x32xf32, #tpu.memory_space<vmem>> -> memref<32xf32, #tpu.memory_space<vmem>>
        %dma_start3A_494 = arith.constant 0 : i32
        %dma_start3A_495 = tpu.memref_slice %arg3[%squeeze3A_483, %dma_start3A_494] : memref<1000000x32xf32, #tpu.memory_space<hbm>> -> memref<1x32xf32, #tpu.memory_space<hbm>>
        %dma_start3A_496 = tpu.memref_squeeze %dma_start3A_495 : memref<1x32xf32, #tpu.memory_space<hbm>> -> memref<32xf32, #tpu.memory_space<hbm>>
        tpu.enqueue_dma source(%dma_start3A_496 : memref<32xf32, #tpu.memory_space<hbm>>) target(%dma_start3A_493 : memref<32xf32, #tpu.memory_space<vmem>>) target_semaphore(%arg7 : memref<!tpu.dma_semaphore, #tpu.memory_space<semaphore_mem>>)
        %slice3A_497 = vector.extract_strided_slice %get3A_107 {offsets = [9], sizes = [1], strides = [1]} : vector<16xi32> to vector<1xi32>
        %squeeze3A_498 = vector.extract %slice3A_497[0] : i32 from vector<1xi32>
        %dma_start3A_499 = arith.constant 25 : i32
        %dma_start3A_500 = arith.constant 0 : i32
        %dma_start3A_501 = tpu.memref_slice %arg6[%rem3A_41, %scan3A_92, %dma_start3A_499, %dma_start3A_500] : memref<2x8x50x32xf32, #tpu.memory_space<vmem>> -> memref<1x1x1x32xf32, #tpu.memory_space<vmem>>
        %dma_start3A_502 = tpu.memref_squeeze %dma_start3A_501 : memref<1x1x1x32xf32, #tpu.memory_space<vmem>> -> memref<32xf32, #tpu.memory_space<vmem>>
        %dma_start3A_503 = arith.constant 0 : i32
        %dma_start3A_504 = tpu.memref_slice %arg3[%squeeze3A_498, %dma_start3A_503] : memref<1000000x32xf32, #tpu.memory_space<hbm>> -> memref<1x32xf32, #tpu.memory_space<hbm>>
        %dma_start3A_505 = tpu.memref_squeeze %dma_start3A_504 : memref<1x32xf32, #tpu.memory_space<hbm>> -> memref<32xf32, #tpu.memory_space<hbm>>
        %dma_start3A_506 = arith.constant 0 : i32
        %dma_start3A_507 = tpu.memref_slice %arg6[%rem3A_41, %scan3A_92, %dma_start3A_499, %dma_start3A_506] : memref<2x8x50x32xf32, #tpu.memory_space<vmem>> -> memref<1x1x1x32xf32, #tpu.memory_space<vmem>>
        %dma_start3A_508 = tpu.memref_squeeze %dma_start3A_507 : memref<1x1x1x32xf32, #tpu.memory_space<vmem>> -> memref<32xf32, #tpu.memory_space<vmem>>
        %dma_start3A_509 = arith.constant 0 : i32
        %dma_start3A_510 = tpu.memref_slice %arg3[%squeeze3A_498, %dma_start3A_509] : memref<1000000x32xf32, #tpu.memory_space<hbm>> -> memref<1x32xf32, #tpu.memory_space<hbm>>
        %dma_start3A_511 = tpu.memref_squeeze %dma_start3A_510 : memref<1x32xf32, #tpu.memory_space<hbm>> -> memref<32xf32, #tpu.memory_space<hbm>>
        tpu.enqueue_dma source(%dma_start3A_511 : memref<32xf32, #tpu.memory_space<hbm>>) target(%dma_start3A_508 : memref<32xf32, #tpu.memory_space<vmem>>) target_semaphore(%arg7 : memref<!tpu.dma_semaphore, #tpu.memory_space<semaphore_mem>>)
        %slice3A_512 = vector.extract_strided_slice %get3A_107 {offsets = [10], sizes = [1], strides = [1]} : vector<16xi32> to vector<1xi32>
        %squeeze3A_513 = vector.extract %slice3A_512[0] : i32 from vector<1xi32>
        %dma_start3A_514 = arith.constant 26 : i32
        %dma_start3A_515 = arith.constant 0 : i32
        %dma_start3A_516 = tpu.memref_slice %arg6[%rem3A_41, %scan3A_92, %dma_start3A_514, %dma_start3A_515] : memref<2x8x50x32xf32, #tpu.memory_space<vmem>> -> memref<1x1x1x32xf32, #tpu.memory_space<vmem>>
        %dma_start3A_517 = tpu.memref_squeeze %dma_start3A_516 : memref<1x1x1x32xf32, #tpu.memory_space<vmem>> -> memref<32xf32, #tpu.memory_space<vmem>>
        %dma_start3A_518 = arith.constant 0 : i32
        %dma_start3A_519 = tpu.memref_slice %arg3[%squeeze3A_513, %dma_start3A_518] : memref<1000000x32xf32, #tpu.memory_space<hbm>> -> memref<1x32xf32, #tpu.memory_space<hbm>>
        %dma_start3A_520 = tpu.memref_squeeze %dma_start3A_519 : memref<1x32xf32, #tpu.memory_space<hbm>> -> memref<32xf32, #tpu.memory_space<hbm>>
        %dma_start3A_521 = arith.constant 0 : i32
        %dma_start3A_522 = tpu.memref_slice %arg6[%rem3A_41, %scan3A_92, %dma_start3A_514, %dma_start3A_521] : memref<2x8x50x32xf32, #tpu.memory_space<vmem>> -> memref<1x1x1x32xf32, #tpu.memory_space<vmem>>
        %dma_start3A_523 = tpu.memref_squeeze %dma_start3A_522 : memref<1x1x1x32xf32, #tpu.memory_space<vmem>> -> memref<32xf32, #tpu.memory_space<vmem>>
        %dma_start3A_524 = arith.constant 0 : i32
        %dma_start3A_525 = tpu.memref_slice %arg3[%squeeze3A_513, %dma_start3A_524] : memref<1000000x32xf32, #tpu.memory_space<hbm>> -> memref<1x32xf32, #tpu.memory_space<hbm>>
        %dma_start3A_526 = tpu.memref_squeeze %dma_start3A_525 : memref<1x32xf32, #tpu.memory_space<hbm>> -> memref<32xf32, #tpu.memory_space<hbm>>
        tpu.enqueue_dma source(%dma_start3A_526 : memref<32xf32, #tpu.memory_space<hbm>>) target(%dma_start3A_523 : memref<32xf32, #tpu.memory_space<vmem>>) target_semaphore(%arg7 : memref<!tpu.dma_semaphore, #tpu.memory_space<semaphore_mem>>)
        %slice3A_527 = vector.extract_strided_slice %get3A_107 {offsets = [11], sizes = [1], strides = [1]} : vector<16xi32> to vector<1xi32>
        %squeeze3A_528 = vector.extract %slice3A_527[0] : i32 from vector<1xi32>
        %dma_start3A_529 = arith.constant 27 : i32
        %dma_start3A_530 = arith.constant 0 : i32
        %dma_start3A_531 = tpu.memref_slice %arg6[%rem3A_41, %scan3A_92, %dma_start3A_529, %dma_start3A_530] : memref<2x8x50x32xf32, #tpu.memory_space<vmem>> -> memref<1x1x1x32xf32, #tpu.memory_space<vmem>>
        %dma_start3A_532 = tpu.memref_squeeze %dma_start3A_531 : memref<1x1x1x32xf32, #tpu.memory_space<vmem>> -> memref<32xf32, #tpu.memory_space<vmem>>
        %dma_start3A_533 = arith.constant 0 : i32
        %dma_start3A_534 = tpu.memref_slice %arg3[%squeeze3A_528, %dma_start3A_533] : memref<1000000x32xf32, #tpu.memory_space<hbm>> -> memref<1x32xf32, #tpu.memory_space<hbm>>
        %dma_start3A_535 = tpu.memref_squeeze %dma_start3A_534 : memref<1x32xf32, #tpu.memory_space<hbm>> -> memref<32xf32, #tpu.memory_space<hbm>>
        %dma_start3A_536 = arith.constant 0 : i32
        %dma_start3A_537 = tpu.memref_slice %arg6[%rem3A_41, %scan3A_92, %dma_start3A_529, %dma_start3A_536] : memref<2x8x50x32xf32, #tpu.memory_space<vmem>> -> memref<1x1x1x32xf32, #tpu.memory_space<vmem>>
        %dma_start3A_538 = tpu.memref_squeeze %dma_start3A_537 : memref<1x1x1x32xf32, #tpu.memory_space<vmem>> -> memref<32xf32, #tpu.memory_space<vmem>>
        %dma_start3A_539 = arith.constant 0 : i32
        %dma_start3A_540 = tpu.memref_slice %arg3[%squeeze3A_528, %dma_start3A_539] : memref<1000000x32xf32, #tpu.memory_space<hbm>> -> memref<1x32xf32, #tpu.memory_space<hbm>>
        %dma_start3A_541 = tpu.memref_squeeze %dma_start3A_540 : memref<1x32xf32, #tpu.memory_space<hbm>> -> memref<32xf32, #tpu.memory_space<hbm>>
        tpu.enqueue_dma source(%dma_start3A_541 : memref<32xf32, #tpu.memory_space<hbm>>) target(%dma_start3A_538 : memref<32xf32, #tpu.memory_space<vmem>>) target_semaphore(%arg7 : memref<!tpu.dma_semaphore, #tpu.memory_space<semaphore_mem>>)
        %slice3A_542 = vector.extract_strided_slice %get3A_107 {offsets = [12], sizes = [1], strides = [1]} : vector<16xi32> to vector<1xi32>
        %squeeze3A_543 = vector.extract %slice3A_542[0] : i32 from vector<1xi32>
        %dma_start3A_544 = arith.constant 28 : i32
        %dma_start3A_545 = arith.constant 0 : i32
        %dma_start3A_546 = tpu.memref_slice %arg6[%rem3A_41, %scan3A_92, %dma_start3A_544, %dma_start3A_545] : memref<2x8x50x32xf32, #tpu.memory_space<vmem>> -> memref<1x1x1x32xf32, #tpu.memory_space<vmem>>
        %dma_start3A_547 = tpu.memref_squeeze %dma_start3A_546 : memref<1x1x1x32xf32, #tpu.memory_space<vmem>> -> memref<32xf32, #tpu.memory_space<vmem>>
        %dma_start3A_548 = arith.constant 0 : i32
        %dma_start3A_549 = tpu.memref_slice %arg3[%squeeze3A_543, %dma_start3A_548] : memref<1000000x32xf32, #tpu.memory_space<hbm>> -> memref<1x32xf32, #tpu.memory_space<hbm>>
        %dma_start3A_550 = tpu.memref_squeeze %dma_start3A_549 : memref<1x32xf32, #tpu.memory_space<hbm>> -> memref<32xf32, #tpu.memory_space<hbm>>
        %dma_start3A_551 = arith.constant 0 : i32
        %dma_start3A_552 = tpu.memref_slice %arg6[%rem3A_41, %scan3A_92, %dma_start3A_544, %dma_start3A_551] : memref<2x8x50x32xf32, #tpu.memory_space<vmem>> -> memref<1x1x1x32xf32, #tpu.memory_space<vmem>>
        %dma_start3A_553 = tpu.memref_squeeze %dma_start3A_552 : memref<1x1x1x32xf32, #tpu.memory_space<vmem>> -> memref<32xf32, #tpu.memory_space<vmem>>
        %dma_start3A_554 = arith.constant 0 : i32
        %dma_start3A_555 = tpu.memref_slice %arg3[%squeeze3A_543, %dma_start3A_554] : memref<1000000x32xf32, #tpu.memory_space<hbm>> -> memref<1x32xf32, #tpu.memory_space<hbm>>
        %dma_start3A_556 = tpu.memref_squeeze %dma_start3A_555 : memref<1x32xf32, #tpu.memory_space<hbm>> -> memref<32xf32, #tpu.memory_space<hbm>>
        tpu.enqueue_dma source(%dma_start3A_556 : memref<32xf32, #tpu.memory_space<hbm>>) target(%dma_start3A_553 : memref<32xf32, #tpu.memory_space<vmem>>) target_semaphore(%arg7 : memref<!tpu.dma_semaphore, #tpu.memory_space<semaphore_mem>>)
        %slice3A_557 = vector.extract_strided_slice %get3A_107 {offsets = [13], sizes = [1], strides = [1]} : vector<16xi32> to vector<1xi32>
        %squeeze3A_558 = vector.extract %slice3A_557[0] : i32 from vector<1xi32>
        %dma_start3A_559 = arith.constant 29 : i32
        %dma_start3A_560 = arith.constant 0 : i32
        %dma_start3A_561 = tpu.memref_slice %arg6[%rem3A_41, %scan3A_92, %dma_start3A_559, %dma_start3A_560] : memref<2x8x50x32xf32, #tpu.memory_space<vmem>> -> memref<1x1x1x32xf32, #tpu.memory_space<vmem>>
        %dma_start3A_562 = tpu.memref_squeeze %dma_start3A_561 : memref<1x1x1x32xf32, #tpu.memory_space<vmem>> -> memref<32xf32, #tpu.memory_space<vmem>>
        %dma_start3A_563 = arith.constant 0 : i32
        %dma_start3A_564 = tpu.memref_slice %arg3[%squeeze3A_558, %dma_start3A_563] : memref<1000000x32xf32, #tpu.memory_space<hbm>> -> memref<1x32xf32, #tpu.memory_space<hbm>>
        %dma_start3A_565 = tpu.memref_squeeze %dma_start3A_564 : memref<1x32xf32, #tpu.memory_space<hbm>> -> memref<32xf32, #tpu.memory_space<hbm>>
        %dma_start3A_566 = arith.constant 0 : i32
        %dma_start3A_567 = tpu.memref_slice %arg6[%rem3A_41, %scan3A_92, %dma_start3A_559, %dma_start3A_566] : memref<2x8x50x32xf32, #tpu.memory_space<vmem>> -> memref<1x1x1x32xf32, #tpu.memory_space<vmem>>
        %dma_start3A_568 = tpu.memref_squeeze %dma_start3A_567 : memref<1x1x1x32xf32, #tpu.memory_space<vmem>> -> memref<32xf32, #tpu.memory_space<vmem>>
        %dma_start3A_569 = arith.constant 0 : i32
        %dma_start3A_570 = tpu.memref_slice %arg3[%squeeze3A_558, %dma_start3A_569] : memref<1000000x32xf32, #tpu.memory_space<hbm>> -> memref<1x32xf32, #tpu.memory_space<hbm>>
        %dma_start3A_571 = tpu.memref_squeeze %dma_start3A_570 : memref<1x32xf32, #tpu.memory_space<hbm>> -> memref<32xf32, #tpu.memory_space<hbm>>
        tpu.enqueue_dma source(%dma_start3A_571 : memref<32xf32, #tpu.memory_space<hbm>>) target(%dma_start3A_568 : memref<32xf32, #tpu.memory_space<vmem>>) target_semaphore(%arg7 : memref<!tpu.dma_semaphore, #tpu.memory_space<semaphore_mem>>)
        %slice3A_572 = vector.extract_strided_slice %get3A_107 {offsets = [14], sizes = [1], strides = [1]} : vector<16xi32> to vector<1xi32>
        %squeeze3A_573 = vector.extract %slice3A_572[0] : i32 from vector<1xi32>
        %dma_start3A_574 = arith.constant 30 : i32
        %dma_start3A_575 = arith.constant 0 : i32
        %dma_start3A_576 = tpu.memref_slice %arg6[%rem3A_41, %scan3A_92, %dma_start3A_574, %dma_start3A_575] : memref<2x8x50x32xf32, #tpu.memory_space<vmem>> -> memref<1x1x1x32xf32, #tpu.memory_space<vmem>>
        %dma_start3A_577 = tpu.memref_squeeze %dma_start3A_576 : memref<1x1x1x32xf32, #tpu.memory_space<vmem>> -> memref<32xf32, #tpu.memory_space<vmem>>
        %dma_start3A_578 = arith.constant 0 : i32
        %dma_start3A_579 = tpu.memref_slice %arg3[%squeeze3A_573, %dma_start3A_578] : memref<1000000x32xf32, #tpu.memory_space<hbm>> -> memref<1x32xf32, #tpu.memory_space<hbm>>
        %dma_start3A_580 = tpu.memref_squeeze %dma_start3A_579 : memref<1x32xf32, #tpu.memory_space<hbm>> -> memref<32xf32, #tpu.memory_space<hbm>>
        %dma_start3A_581 = arith.constant 0 : i32
        %dma_start3A_582 = tpu.memref_slice %arg6[%rem3A_41, %scan3A_92, %dma_start3A_574, %dma_start3A_581] : memref<2x8x50x32xf32, #tpu.memory_space<vmem>> -> memref<1x1x1x32xf32, #tpu.memory_space<vmem>>
        %dma_start3A_583 = tpu.memref_squeeze %dma_start3A_582 : memref<1x1x1x32xf32, #tpu.memory_space<vmem>> -> memref<32xf32, #tpu.memory_space<vmem>>
        %dma_start3A_584 = arith.constant 0 : i32
        %dma_start3A_585 = tpu.memref_slice %arg3[%squeeze3A_573, %dma_start3A_584] : memref<1000000x32xf32, #tpu.memory_space<hbm>> -> memref<1x32xf32, #tpu.memory_space<hbm>>
        %dma_start3A_586 = tpu.memref_squeeze %dma_start3A_585 : memref<1x32xf32, #tpu.memory_space<hbm>> -> memref<32xf32, #tpu.memory_space<hbm>>
        tpu.enqueue_dma source(%dma_start3A_586 : memref<32xf32, #tpu.memory_space<hbm>>) target(%dma_start3A_583 : memref<32xf32, #tpu.memory_space<vmem>>) target_semaphore(%arg7 : memref<!tpu.dma_semaphore, #tpu.memory_space<semaphore_mem>>)
        %slice3A_587 = vector.extract_strided_slice %get3A_107 {offsets = [15], sizes = [1], strides = [1]} : vector<16xi32> to vector<1xi32>
        %squeeze3A_588 = vector.extract %slice3A_587[0] : i32 from vector<1xi32>
        %dma_start3A_589 = arith.constant 31 : i32
        %dma_start3A_590 = arith.constant 0 : i32
        %dma_start3A_591 = tpu.memref_slice %arg6[%rem3A_41, %scan3A_92, %dma_start3A_589, %dma_start3A_590] : memref<2x8x50x32xf32, #tpu.memory_space<vmem>> -> memref<1x1x1x32xf32, #tpu.memory_space<vmem>>
        %dma_start3A_592 = tpu.memref_squeeze %dma_start3A_591 : memref<1x1x1x32xf32, #tpu.memory_space<vmem>> -> memref<32xf32, #tpu.memory_space<vmem>>
        %dma_start3A_593 = arith.constant 0 : i32
        %dma_start3A_594 = tpu.memref_slice %arg3[%squeeze3A_588, %dma_start3A_593] : memref<1000000x32xf32, #tpu.memory_space<hbm>> -> memref<1x32xf32, #tpu.memory_space<hbm>>
        %dma_start3A_595 = tpu.memref_squeeze %dma_start3A_594 : memref<1x32xf32, #tpu.memory_space<hbm>> -> memref<32xf32, #tpu.memory_space<hbm>>
        %dma_start3A_596 = arith.constant 0 : i32
        %dma_start3A_597 = tpu.memref_slice %arg6[%rem3A_41, %scan3A_92, %dma_start3A_589, %dma_start3A_596] : memref<2x8x50x32xf32, #tpu.memory_space<vmem>> -> memref<1x1x1x32xf32, #tpu.memory_space<vmem>>
        %dma_start3A_598 = tpu.memref_squeeze %dma_start3A_597 : memref<1x1x1x32xf32, #tpu.memory_space<vmem>> -> memref<32xf32, #tpu.memory_space<vmem>>
        %dma_start3A_599 = arith.constant 0 : i32
        %dma_start3A_600 = tpu.memref_slice %arg3[%squeeze3A_588, %dma_start3A_599] : memref<1000000x32xf32, #tpu.memory_space<hbm>> -> memref<1x32xf32, #tpu.memory_space<hbm>>
        %dma_start3A_601 = tpu.memref_squeeze %dma_start3A_600 : memref<1x32xf32, #tpu.memory_space<hbm>> -> memref<32xf32, #tpu.memory_space<hbm>>
        tpu.enqueue_dma source(%dma_start3A_601 : memref<32xf32, #tpu.memory_space<hbm>>) target(%dma_start3A_598 : memref<32xf32, #tpu.memory_space<vmem>>) target_semaphore(%arg7 : memref<!tpu.dma_semaphore, #tpu.memory_space<semaphore_mem>>)
        %slice3A_602 = vector.extract_strided_slice %get3A_115 {offsets = [0], sizes = [1], strides = [1]} : vector<16xi32> to vector<1xi32>
        %squeeze3A_603 = vector.extract %slice3A_602[0] : i32 from vector<1xi32>
        %dma_start3A_604 = arith.constant 32 : i32
        %dma_start3A_605 = arith.constant 0 : i32
        %dma_start3A_606 = tpu.memref_slice %arg6[%rem3A_41, %scan3A_92, %dma_start3A_604, %dma_start3A_605] : memref<2x8x50x32xf32, #tpu.memory_space<vmem>> -> memref<1x1x1x32xf32, #tpu.memory_space<vmem>>
        %dma_start3A_607 = tpu.memref_squeeze %dma_start3A_606 : memref<1x1x1x32xf32, #tpu.memory_space<vmem>> -> memref<32xf32, #tpu.memory_space<vmem>>
        %dma_start3A_608 = arith.constant 0 : i32
        %dma_start3A_609 = tpu.memref_slice %arg3[%squeeze3A_603, %dma_start3A_608] : memref<1000000x32xf32, #tpu.memory_space<hbm>> -> memref<1x32xf32, #tpu.memory_space<hbm>>
        %dma_start3A_610 = tpu.memref_squeeze %dma_start3A_609 : memref<1x32xf32, #tpu.memory_space<hbm>> -> memref<32xf32, #tpu.memory_space<hbm>>
        %dma_start3A_611 = arith.constant 0 : i32
        %dma_start3A_612 = tpu.memref_slice %arg6[%rem3A_41, %scan3A_92, %dma_start3A_604, %dma_start3A_611] : memref<2x8x50x32xf32, #tpu.memory_space<vmem>> -> memref<1x1x1x32xf32, #tpu.memory_space<vmem>>
        %dma_start3A_613 = tpu.memref_squeeze %dma_start3A_612 : memref<1x1x1x32xf32, #tpu.memory_space<vmem>> -> memref<32xf32, #tpu.memory_space<vmem>>
        %dma_start3A_614 = arith.constant 0 : i32
        %dma_start3A_615 = tpu.memref_slice %arg3[%squeeze3A_603, %dma_start3A_614] : memref<1000000x32xf32, #tpu.memory_space<hbm>> -> memref<1x32xf32, #tpu.memory_space<hbm>>
        %dma_start3A_616 = tpu.memref_squeeze %dma_start3A_615 : memref<1x32xf32, #tpu.memory_space<hbm>> -> memref<32xf32, #tpu.memory_space<hbm>>
        tpu.enqueue_dma source(%dma_start3A_616 : memref<32xf32, #tpu.memory_space<hbm>>) target(%dma_start3A_613 : memref<32xf32, #tpu.memory_space<vmem>>) target_semaphore(%arg7 : memref<!tpu.dma_semaphore, #tpu.memory_space<semaphore_mem>>)
        %slice3A_617 = vector.extract_strided_slice %get3A_115 {offsets = [1], sizes = [1], strides = [1]} : vector<16xi32> to vector<1xi32>
        %squeeze3A_618 = vector.extract %slice3A_617[0] : i32 from vector<1xi32>
        %dma_start3A_619 = arith.constant 33 : i32
        %dma_start3A_620 = arith.constant 0 : i32
        %dma_start3A_621 = tpu.memref_slice %arg6[%rem3A_41, %scan3A_92, %dma_start3A_619, %dma_start3A_620] : memref<2x8x50x32xf32, #tpu.memory_space<vmem>> -> memref<1x1x1x32xf32, #tpu.memory_space<vmem>>
        %dma_start3A_622 = tpu.memref_squeeze %dma_start3A_621 : memref<1x1x1x32xf32, #tpu.memory_space<vmem>> -> memref<32xf32, #tpu.memory_space<vmem>>
        %dma_start3A_623 = arith.constant 0 : i32
        %dma_start3A_624 = tpu.memref_slice %arg3[%squeeze3A_618, %dma_start3A_623] : memref<1000000x32xf32, #tpu.memory_space<hbm>> -> memref<1x32xf32, #tpu.memory_space<hbm>>
        %dma_start3A_625 = tpu.memref_squeeze %dma_start3A_624 : memref<1x32xf32, #tpu.memory_space<hbm>> -> memref<32xf32, #tpu.memory_space<hbm>>
        %dma_start3A_626 = arith.constant 0 : i32
        %dma_start3A_627 = tpu.memref_slice %arg6[%rem3A_41, %scan3A_92, %dma_start3A_619, %dma_start3A_626] : memref<2x8x50x32xf32, #tpu.memory_space<vmem>> -> memref<1x1x1x32xf32, #tpu.memory_space<vmem>>
        %dma_start3A_628 = tpu.memref_squeeze %dma_start3A_627 : memref<1x1x1x32xf32, #tpu.memory_space<vmem>> -> memref<32xf32, #tpu.memory_space<vmem>>
        %dma_start3A_629 = arith.constant 0 : i32
        %dma_start3A_630 = tpu.memref_slice %arg3[%squeeze3A_618, %dma_start3A_629] : memref<1000000x32xf32, #tpu.memory_space<hbm>> -> memref<1x32xf32, #tpu.memory_space<hbm>>
        %dma_start3A_631 = tpu.memref_squeeze %dma_start3A_630 : memref<1x32xf32, #tpu.memory_space<hbm>> -> memref<32xf32, #tpu.memory_space<hbm>>
        tpu.enqueue_dma source(%dma_start3A_631 : memref<32xf32, #tpu.memory_space<hbm>>) target(%dma_start3A_628 : memref<32xf32, #tpu.memory_space<vmem>>) target_semaphore(%arg7 : memref<!tpu.dma_semaphore, #tpu.memory_space<semaphore_mem>>)
        %slice3A_632 = vector.extract_strided_slice %get3A_115 {offsets = [2], sizes = [1], strides = [1]} : vector<16xi32> to vector<1xi32>
        %squeeze3A_633 = vector.extract %slice3A_632[0] : i32 from vector<1xi32>
        %dma_start3A_634 = arith.constant 34 : i32
        %dma_start3A_635 = arith.constant 0 : i32
        %dma_start3A_636 = tpu.memref_slice %arg6[%rem3A_41, %scan3A_92, %dma_start3A_634, %dma_start3A_635] : memref<2x8x50x32xf32, #tpu.memory_space<vmem>> -> memref<1x1x1x32xf32, #tpu.memory_space<vmem>>
        %dma_start3A_637 = tpu.memref_squeeze %dma_start3A_636 : memref<1x1x1x32xf32, #tpu.memory_space<vmem>> -> memref<32xf32, #tpu.memory_space<vmem>>
        %dma_start3A_638 = arith.constant 0 : i32
        %dma_start3A_639 = tpu.memref_slice %arg3[%squeeze3A_633, %dma_start3A_638] : memref<1000000x32xf32, #tpu.memory_space<hbm>> -> memref<1x32xf32, #tpu.memory_space<hbm>>
        %dma_start3A_640 = tpu.memref_squeeze %dma_start3A_639 : memref<1x32xf32, #tpu.memory_space<hbm>> -> memref<32xf32, #tpu.memory_space<hbm>>
        %dma_start3A_641 = arith.constant 0 : i32
        %dma_start3A_642 = tpu.memref_slice %arg6[%rem3A_41, %scan3A_92, %dma_start3A_634, %dma_start3A_641] : memref<2x8x50x32xf32, #tpu.memory_space<vmem>> -> memref<1x1x1x32xf32, #tpu.memory_space<vmem>>
        %dma_start3A_643 = tpu.memref_squeeze %dma_start3A_642 : memref<1x1x1x32xf32, #tpu.memory_space<vmem>> -> memref<32xf32, #tpu.memory_space<vmem>>
        %dma_start3A_644 = arith.constant 0 : i32
        %dma_start3A_645 = tpu.memref_slice %arg3[%squeeze3A_633, %dma_start3A_644] : memref<1000000x32xf32, #tpu.memory_space<hbm>> -> memref<1x32xf32, #tpu.memory_space<hbm>>
        %dma_start3A_646 = tpu.memref_squeeze %dma_start3A_645 : memref<1x32xf32, #tpu.memory_space<hbm>> -> memref<32xf32, #tpu.memory_space<hbm>>
        tpu.enqueue_dma source(%dma_start3A_646 : memref<32xf32, #tpu.memory_space<hbm>>) target(%dma_start3A_643 : memref<32xf32, #tpu.memory_space<vmem>>) target_semaphore(%arg7 : memref<!tpu.dma_semaphore, #tpu.memory_space<semaphore_mem>>)
        %slice3A_647 = vector.extract_strided_slice %get3A_115 {offsets = [3], sizes = [1], strides = [1]} : vector<16xi32> to vector<1xi32>
        %squeeze3A_648 = vector.extract %slice3A_647[0] : i32 from vector<1xi32>
        %dma_start3A_649 = arith.constant 35 : i32
        %dma_start3A_650 = arith.constant 0 : i32
        %dma_start3A_651 = tpu.memref_slice %arg6[%rem3A_41, %scan3A_92, %dma_start3A_649, %dma_start3A_650] : memref<2x8x50x32xf32, #tpu.memory_space<vmem>> -> memref<1x1x1x32xf32, #tpu.memory_space<vmem>>
        %dma_start3A_652 = tpu.memref_squeeze %dma_start3A_651 : memref<1x1x1x32xf32, #tpu.memory_space<vmem>> -> memref<32xf32, #tpu.memory_space<vmem>>
        %dma_start3A_653 = arith.constant 0 : i32
        %dma_start3A_654 = tpu.memref_slice %arg3[%squeeze3A_648, %dma_start3A_653] : memref<1000000x32xf32, #tpu.memory_space<hbm>> -> memref<1x32xf32, #tpu.memory_space<hbm>>
        %dma_start3A_655 = tpu.memref_squeeze %dma_start3A_654 : memref<1x32xf32, #tpu.memory_space<hbm>> -> memref<32xf32, #tpu.memory_space<hbm>>
        %dma_start3A_656 = arith.constant 0 : i32
        %dma_start3A_657 = tpu.memref_slice %arg6[%rem3A_41, %scan3A_92, %dma_start3A_649, %dma_start3A_656] : memref<2x8x50x32xf32, #tpu.memory_space<vmem>> -> memref<1x1x1x32xf32, #tpu.memory_space<vmem>>
        %dma_start3A_658 = tpu.memref_squeeze %dma_start3A_657 : memref<1x1x1x32xf32, #tpu.memory_space<vmem>> -> memref<32xf32, #tpu.memory_space<vmem>>
        %dma_start3A_659 = arith.constant 0 : i32
        %dma_start3A_660 = tpu.memref_slice %arg3[%squeeze3A_648, %dma_start3A_659] : memref<1000000x32xf32, #tpu.memory_space<hbm>> -> memref<1x32xf32, #tpu.memory_space<hbm>>
        %dma_start3A_661 = tpu.memref_squeeze %dma_start3A_660 : memref<1x32xf32, #tpu.memory_space<hbm>> -> memref<32xf32, #tpu.memory_space<hbm>>
        tpu.enqueue_dma source(%dma_start3A_661 : memref<32xf32, #tpu.memory_space<hbm>>) target(%dma_start3A_658 : memref<32xf32, #tpu.memory_space<vmem>>) target_semaphore(%arg7 : memref<!tpu.dma_semaphore, #tpu.memory_space<semaphore_mem>>)
        %slice3A_662 = vector.extract_strided_slice %get3A_115 {offsets = [4], sizes = [1], strides = [1]} : vector<16xi32> to vector<1xi32>
        %squeeze3A_663 = vector.extract %slice3A_662[0] : i32 from vector<1xi32>
        %dma_start3A_664 = arith.constant 36 : i32
        %dma_start3A_665 = arith.constant 0 : i32
        %dma_start3A_666 = tpu.memref_slice %arg6[%rem3A_41, %scan3A_92, %dma_start3A_664, %dma_start3A_665] : memref<2x8x50x32xf32, #tpu.memory_space<vmem>> -> memref<1x1x1x32xf32, #tpu.memory_space<vmem>>
        %dma_start3A_667 = tpu.memref_squeeze %dma_start3A_666 : memref<1x1x1x32xf32, #tpu.memory_space<vmem>> -> memref<32xf32, #tpu.memory_space<vmem>>
        %dma_start3A_668 = arith.constant 0 : i32
        %dma_start3A_669 = tpu.memref_slice %arg3[%squeeze3A_663, %dma_start3A_668] : memref<1000000x32xf32, #tpu.memory_space<hbm>> -> memref<1x32xf32, #tpu.memory_space<hbm>>
        %dma_start3A_670 = tpu.memref_squeeze %dma_start3A_669 : memref<1x32xf32, #tpu.memory_space<hbm>> -> memref<32xf32, #tpu.memory_space<hbm>>
        %dma_start3A_671 = arith.constant 0 : i32
        %dma_start3A_672 = tpu.memref_slice %arg6[%rem3A_41, %scan3A_92, %dma_start3A_664, %dma_start3A_671] : memref<2x8x50x32xf32, #tpu.memory_space<vmem>> -> memref<1x1x1x32xf32, #tpu.memory_space<vmem>>
        %dma_start3A_673 = tpu.memref_squeeze %dma_start3A_672 : memref<1x1x1x32xf32, #tpu.memory_space<vmem>> -> memref<32xf32, #tpu.memory_space<vmem>>
        %dma_start3A_674 = arith.constant 0 : i32
        %dma_start3A_675 = tpu.memref_slice %arg3[%squeeze3A_663, %dma_start3A_674] : memref<1000000x32xf32, #tpu.memory_space<hbm>> -> memref<1x32xf32, #tpu.memory_space<hbm>>
        %dma_start3A_676 = tpu.memref_squeeze %dma_start3A_675 : memref<1x32xf32, #tpu.memory_space<hbm>> -> memref<32xf32, #tpu.memory_space<hbm>>
        tpu.enqueue_dma source(%dma_start3A_676 : memref<32xf32, #tpu.memory_space<hbm>>) target(%dma_start3A_673 : memref<32xf32, #tpu.memory_space<vmem>>) target_semaphore(%arg7 : memref<!tpu.dma_semaphore, #tpu.memory_space<semaphore_mem>>)
        %slice3A_677 = vector.extract_strided_slice %get3A_115 {offsets = [5], sizes = [1], strides = [1]} : vector<16xi32> to vector<1xi32>
        %squeeze3A_678 = vector.extract %slice3A_677[0] : i32 from vector<1xi32>
        %dma_start3A_679 = arith.constant 37 : i32
        %dma_start3A_680 = arith.constant 0 : i32
        %dma_start3A_681 = tpu.memref_slice %arg6[%rem3A_41, %scan3A_92, %dma_start3A_679, %dma_start3A_680] : memref<2x8x50x32xf32, #tpu.memory_space<vmem>> -> memref<1x1x1x32xf32, #tpu.memory_space<vmem>>
        %dma_start3A_682 = tpu.memref_squeeze %dma_start3A_681 : memref<1x1x1x32xf32, #tpu.memory_space<vmem>> -> memref<32xf32, #tpu.memory_space<vmem>>
        %dma_start3A_683 = arith.constant 0 : i32
        %dma_start3A_684 = tpu.memref_slice %arg3[%squeeze3A_678, %dma_start3A_683] : memref<1000000x32xf32, #tpu.memory_space<hbm>> -> memref<1x32xf32, #tpu.memory_space<hbm>>
        %dma_start3A_685 = tpu.memref_squeeze %dma_start3A_684 : memref<1x32xf32, #tpu.memory_space<hbm>> -> memref<32xf32, #tpu.memory_space<hbm>>
        %dma_start3A_686 = arith.constant 0 : i32
        %dma_start3A_687 = tpu.memref_slice %arg6[%rem3A_41, %scan3A_92, %dma_start3A_679, %dma_start3A_686] : memref<2x8x50x32xf32, #tpu.memory_space<vmem>> -> memref<1x1x1x32xf32, #tpu.memory_space<vmem>>
        %dma_start3A_688 = tpu.memref_squeeze %dma_start3A_687 : memref<1x1x1x32xf32, #tpu.memory_space<vmem>> -> memref<32xf32, #tpu.memory_space<vmem>>
        %dma_start3A_689 = arith.constant 0 : i32
        %dma_start3A_690 = tpu.memref_slice %arg3[%squeeze3A_678, %dma_start3A_689] : memref<1000000x32xf32, #tpu.memory_space<hbm>> -> memref<1x32xf32, #tpu.memory_space<hbm>>
        %dma_start3A_691 = tpu.memref_squeeze %dma_start3A_690 : memref<1x32xf32, #tpu.memory_space<hbm>> -> memref<32xf32, #tpu.memory_space<hbm>>
        tpu.enqueue_dma source(%dma_start3A_691 : memref<32xf32, #tpu.memory_space<hbm>>) target(%dma_start3A_688 : memref<32xf32, #tpu.memory_space<vmem>>) target_semaphore(%arg7 : memref<!tpu.dma_semaphore, #tpu.memory_space<semaphore_mem>>)
        %slice3A_692 = vector.extract_strided_slice %get3A_115 {offsets = [6], sizes = [1], strides = [1]} : vector<16xi32> to vector<1xi32>
        %squeeze3A_693 = vector.extract %slice3A_692[0] : i32 from vector<1xi32>
        %dma_start3A_694 = arith.constant 38 : i32
        %dma_start3A_695 = arith.constant 0 : i32
        %dma_start3A_696 = tpu.memref_slice %arg6[%rem3A_41, %scan3A_92, %dma_start3A_694, %dma_start3A_695] : memref<2x8x50x32xf32, #tpu.memory_space<vmem>> -> memref<1x1x1x32xf32, #tpu.memory_space<vmem>>
        %dma_start3A_697 = tpu.memref_squeeze %dma_start3A_696 : memref<1x1x1x32xf32, #tpu.memory_space<vmem>> -> memref<32xf32, #tpu.memory_space<vmem>>
        %dma_start3A_698 = arith.constant 0 : i32
        %dma_start3A_699 = tpu.memref_slice %arg3[%squeeze3A_693, %dma_start3A_698] : memref<1000000x32xf32, #tpu.memory_space<hbm>> -> memref<1x32xf32, #tpu.memory_space<hbm>>
        %dma_start3A_700 = tpu.memref_squeeze %dma_start3A_699 : memref<1x32xf32, #tpu.memory_space<hbm>> -> memref<32xf32, #tpu.memory_space<hbm>>
        %dma_start3A_701 = arith.constant 0 : i32
        %dma_start3A_702 = tpu.memref_slice %arg6[%rem3A_41, %scan3A_92, %dma_start3A_694, %dma_start3A_701] : memref<2x8x50x32xf32, #tpu.memory_space<vmem>> -> memref<1x1x1x32xf32, #tpu.memory_space<vmem>>
        %dma_start3A_703 = tpu.memref_squeeze %dma_start3A_702 : memref<1x1x1x32xf32, #tpu.memory_space<vmem>> -> memref<32xf32, #tpu.memory_space<vmem>>
        %dma_start3A_704 = arith.constant 0 : i32
        %dma_start3A_705 = tpu.memref_slice %arg3[%squeeze3A_693, %dma_start3A_704] : memref<1000000x32xf32, #tpu.memory_space<hbm>> -> memref<1x32xf32, #tpu.memory_space<hbm>>
        %dma_start3A_706 = tpu.memref_squeeze %dma_start3A_705 : memref<1x32xf32, #tpu.memory_space<hbm>> -> memref<32xf32, #tpu.memory_space<hbm>>
        tpu.enqueue_dma source(%dma_start3A_706 : memref<32xf32, #tpu.memory_space<hbm>>) target(%dma_start3A_703 : memref<32xf32, #tpu.memory_space<vmem>>) target_semaphore(%arg7 : memref<!tpu.dma_semaphore, #tpu.memory_space<semaphore_mem>>)
        %slice3A_707 = vector.extract_strided_slice %get3A_115 {offsets = [7], sizes = [1], strides = [1]} : vector<16xi32> to vector<1xi32>
        %squeeze3A_708 = vector.extract %slice3A_707[0] : i32 from vector<1xi32>
        %dma_start3A_709 = arith.constant 39 : i32
        %dma_start3A_710 = arith.constant 0 : i32
        %dma_start3A_711 = tpu.memref_slice %arg6[%rem3A_41, %scan3A_92, %dma_start3A_709, %dma_start3A_710] : memref<2x8x50x32xf32, #tpu.memory_space<vmem>> -> memref<1x1x1x32xf32, #tpu.memory_space<vmem>>
        %dma_start3A_712 = tpu.memref_squeeze %dma_start3A_711 : memref<1x1x1x32xf32, #tpu.memory_space<vmem>> -> memref<32xf32, #tpu.memory_space<vmem>>
        %dma_start3A_713 = arith.constant 0 : i32
        %dma_start3A_714 = tpu.memref_slice %arg3[%squeeze3A_708, %dma_start3A_713] : memref<1000000x32xf32, #tpu.memory_space<hbm>> -> memref<1x32xf32, #tpu.memory_space<hbm>>
        %dma_start3A_715 = tpu.memref_squeeze %dma_start3A_714 : memref<1x32xf32, #tpu.memory_space<hbm>> -> memref<32xf32, #tpu.memory_space<hbm>>
        %dma_start3A_716 = arith.constant 0 : i32
        %dma_start3A_717 = tpu.memref_slice %arg6[%rem3A_41, %scan3A_92, %dma_start3A_709, %dma_start3A_716] : memref<2x8x50x32xf32, #tpu.memory_space<vmem>> -> memref<1x1x1x32xf32, #tpu.memory_space<vmem>>
        %dma_start3A_718 = tpu.memref_squeeze %dma_start3A_717 : memref<1x1x1x32xf32, #tpu.memory_space<vmem>> -> memref<32xf32, #tpu.memory_space<vmem>>
        %dma_start3A_719 = arith.constant 0 : i32
        %dma_start3A_720 = tpu.memref_slice %arg3[%squeeze3A_708, %dma_start3A_719] : memref<1000000x32xf32, #tpu.memory_space<hbm>> -> memref<1x32xf32, #tpu.memory_space<hbm>>
        %dma_start3A_721 = tpu.memref_squeeze %dma_start3A_720 : memref<1x32xf32, #tpu.memory_space<hbm>> -> memref<32xf32, #tpu.memory_space<hbm>>
        tpu.enqueue_dma source(%dma_start3A_721 : memref<32xf32, #tpu.memory_space<hbm>>) target(%dma_start3A_718 : memref<32xf32, #tpu.memory_space<vmem>>) target_semaphore(%arg7 : memref<!tpu.dma_semaphore, #tpu.memory_space<semaphore_mem>>)
        %slice3A_722 = vector.extract_strided_slice %get3A_115 {offsets = [8], sizes = [1], strides = [1]} : vector<16xi32> to vector<1xi32>
        %squeeze3A_723 = vector.extract %slice3A_722[0] : i32 from vector<1xi32>
        %dma_start3A_724 = arith.constant 40 : i32
        %dma_start3A_725 = arith.constant 0 : i32
        %dma_start3A_726 = tpu.memref_slice %arg6[%rem3A_41, %scan3A_92, %dma_start3A_724, %dma_start3A_725] : memref<2x8x50x32xf32, #tpu.memory_space<vmem>> -> memref<1x1x1x32xf32, #tpu.memory_space<vmem>>
        %dma_start3A_727 = tpu.memref_squeeze %dma_start3A_726 : memref<1x1x1x32xf32, #tpu.memory_space<vmem>> -> memref<32xf32, #tpu.memory_space<vmem>>
        %dma_start3A_728 = arith.constant 0 : i32
        %dma_start3A_729 = tpu.memref_slice %arg3[%squeeze3A_723, %dma_start3A_728] : memref<1000000x32xf32, #tpu.memory_space<hbm>> -> memref<1x32xf32, #tpu.memory_space<hbm>>
        %dma_start3A_730 = tpu.memref_squeeze %dma_start3A_729 : memref<1x32xf32, #tpu.memory_space<hbm>> -> memref<32xf32, #tpu.memory_space<hbm>>
        %dma_start3A_731 = arith.constant 0 : i32
        %dma_start3A_732 = tpu.memref_slice %arg6[%rem3A_41, %scan3A_92, %dma_start3A_724, %dma_start3A_731] : memref<2x8x50x32xf32, #tpu.memory_space<vmem>> -> memref<1x1x1x32xf32, #tpu.memory_space<vmem>>
        %dma_start3A_733 = tpu.memref_squeeze %dma_start3A_732 : memref<1x1x1x32xf32, #tpu.memory_space<vmem>> -> memref<32xf32, #tpu.memory_space<vmem>>
        %dma_start3A_734 = arith.constant 0 : i32
        %dma_start3A_735 = tpu.memref_slice %arg3[%squeeze3A_723, %dma_start3A_734] : memref<1000000x32xf32, #tpu.memory_space<hbm>> -> memref<1x32xf32, #tpu.memory_space<hbm>>
        %dma_start3A_736 = tpu.memref_squeeze %dma_start3A_735 : memref<1x32xf32, #tpu.memory_space<hbm>> -> memref<32xf32, #tpu.memory_space<hbm>>
        tpu.enqueue_dma source(%dma_start3A_736 : memref<32xf32, #tpu.memory_space<hbm>>) target(%dma_start3A_733 : memref<32xf32, #tpu.memory_space<vmem>>) target_semaphore(%arg7 : memref<!tpu.dma_semaphore, #tpu.memory_space<semaphore_mem>>)
        %slice3A_737 = vector.extract_strided_slice %get3A_115 {offsets = [9], sizes = [1], strides = [1]} : vector<16xi32> to vector<1xi32>
        %squeeze3A_738 = vector.extract %slice3A_737[0] : i32 from vector<1xi32>
        %dma_start3A_739 = arith.constant 41 : i32
        %dma_start3A_740 = arith.constant 0 : i32
        %dma_start3A_741 = tpu.memref_slice %arg6[%rem3A_41, %scan3A_92, %dma_start3A_739, %dma_start3A_740] : memref<2x8x50x32xf32, #tpu.memory_space<vmem>> -> memref<1x1x1x32xf32, #tpu.memory_space<vmem>>
        %dma_start3A_742 = tpu.memref_squeeze %dma_start3A_741 : memref<1x1x1x32xf32, #tpu.memory_space<vmem>> -> memref<32xf32, #tpu.memory_space<vmem>>
        %dma_start3A_743 = arith.constant 0 : i32
        %dma_start3A_744 = tpu.memref_slice %arg3[%squeeze3A_738, %dma_start3A_743] : memref<1000000x32xf32, #tpu.memory_space<hbm>> -> memref<1x32xf32, #tpu.memory_space<hbm>>
        %dma_start3A_745 = tpu.memref_squeeze %dma_start3A_744 : memref<1x32xf32, #tpu.memory_space<hbm>> -> memref<32xf32, #tpu.memory_space<hbm>>
        %dma_start3A_746 = arith.constant 0 : i32
        %dma_start3A_747 = tpu.memref_slice %arg6[%rem3A_41, %scan3A_92, %dma_start3A_739, %dma_start3A_746] : memref<2x8x50x32xf32, #tpu.memory_space<vmem>> -> memref<1x1x1x32xf32, #tpu.memory_space<vmem>>
        %dma_start3A_748 = tpu.memref_squeeze %dma_start3A_747 : memref<1x1x1x32xf32, #tpu.memory_space<vmem>> -> memref<32xf32, #tpu.memory_space<vmem>>
        %dma_start3A_749 = arith.constant 0 : i32
        %dma_start3A_750 = tpu.memref_slice %arg3[%squeeze3A_738, %dma_start3A_749] : memref<1000000x32xf32, #tpu.memory_space<hbm>> -> memref<1x32xf32, #tpu.memory_space<hbm>>
        %dma_start3A_751 = tpu.memref_squeeze %dma_start3A_750 : memref<1x32xf32, #tpu.memory_space<hbm>> -> memref<32xf32, #tpu.memory_space<hbm>>
        tpu.enqueue_dma source(%dma_start3A_751 : memref<32xf32, #tpu.memory_space<hbm>>) target(%dma_start3A_748 : memref<32xf32, #tpu.memory_space<vmem>>) target_semaphore(%arg7 : memref<!tpu.dma_semaphore, #tpu.memory_space<semaphore_mem>>)
        %slice3A_752 = vector.extract_strided_slice %get3A_115 {offsets = [10], sizes = [1], strides = [1]} : vector<16xi32> to vector<1xi32>
        %squeeze3A_753 = vector.extract %slice3A_752[0] : i32 from vector<1xi32>
        %dma_start3A_754 = arith.constant 42 : i32
        %dma_start3A_755 = arith.constant 0 : i32
        %dma_start3A_756 = tpu.memref_slice %arg6[%rem3A_41, %scan3A_92, %dma_start3A_754, %dma_start3A_755] : memref<2x8x50x32xf32, #tpu.memory_space<vmem>> -> memref<1x1x1x32xf32, #tpu.memory_space<vmem>>
        %dma_start3A_757 = tpu.memref_squeeze %dma_start3A_756 : memref<1x1x1x32xf32, #tpu.memory_space<vmem>> -> memref<32xf32, #tpu.memory_space<vmem>>
        %dma_start3A_758 = arith.constant 0 : i32
        %dma_start3A_759 = tpu.memref_slice %arg3[%squeeze3A_753, %dma_start3A_758] : memref<1000000x32xf32, #tpu.memory_space<hbm>> -> memref<1x32xf32, #tpu.memory_space<hbm>>
        %dma_start3A_760 = tpu.memref_squeeze %dma_start3A_759 : memref<1x32xf32, #tpu.memory_space<hbm>> -> memref<32xf32, #tpu.memory_space<hbm>>
        %dma_start3A_761 = arith.constant 0 : i32
        %dma_start3A_762 = tpu.memref_slice %arg6[%rem3A_41, %scan3A_92, %dma_start3A_754, %dma_start3A_761] : memref<2x8x50x32xf32, #tpu.memory_space<vmem>> -> memref<1x1x1x32xf32, #tpu.memory_space<vmem>>
        %dma_start3A_763 = tpu.memref_squeeze %dma_start3A_762 : memref<1x1x1x32xf32, #tpu.memory_space<vmem>> -> memref<32xf32, #tpu.memory_space<vmem>>
        %dma_start3A_764 = arith.constant 0 : i32
        %dma_start3A_765 = tpu.memref_slice %arg3[%squeeze3A_753, %dma_start3A_764] : memref<1000000x32xf32, #tpu.memory_space<hbm>> -> memref<1x32xf32, #tpu.memory_space<hbm>>
        %dma_start3A_766 = tpu.memref_squeeze %dma_start3A_765 : memref<1x32xf32, #tpu.memory_space<hbm>> -> memref<32xf32, #tpu.memory_space<hbm>>
        tpu.enqueue_dma source(%dma_start3A_766 : memref<32xf32, #tpu.memory_space<hbm>>) target(%dma_start3A_763 : memref<32xf32, #tpu.memory_space<vmem>>) target_semaphore(%arg7 : memref<!tpu.dma_semaphore, #tpu.memory_space<semaphore_mem>>)
        %slice3A_767 = vector.extract_strided_slice %get3A_115 {offsets = [11], sizes = [1], strides = [1]} : vector<16xi32> to vector<1xi32>
        %squeeze3A_768 = vector.extract %slice3A_767[0] : i32 from vector<1xi32>
        %dma_start3A_769 = arith.constant 43 : i32
        %dma_start3A_770 = arith.constant 0 : i32
        %dma_start3A_771 = tpu.memref_slice %arg6[%rem3A_41, %scan3A_92, %dma_start3A_769, %dma_start3A_770] : memref<2x8x50x32xf32, #tpu.memory_space<vmem>> -> memref<1x1x1x32xf32, #tpu.memory_space<vmem>>
        %dma_start3A_772 = tpu.memref_squeeze %dma_start3A_771 : memref<1x1x1x32xf32, #tpu.memory_space<vmem>> -> memref<32xf32, #tpu.memory_space<vmem>>
        %dma_start3A_773 = arith.constant 0 : i32
        %dma_start3A_774 = tpu.memref_slice %arg3[%squeeze3A_768, %dma_start3A_773] : memref<1000000x32xf32, #tpu.memory_space<hbm>> -> memref<1x32xf32, #tpu.memory_space<hbm>>
        %dma_start3A_775 = tpu.memref_squeeze %dma_start3A_774 : memref<1x32xf32, #tpu.memory_space<hbm>> -> memref<32xf32, #tpu.memory_space<hbm>>
        %dma_start3A_776 = arith.constant 0 : i32
        %dma_start3A_777 = tpu.memref_slice %arg6[%rem3A_41, %scan3A_92, %dma_start3A_769, %dma_start3A_776] : memref<2x8x50x32xf32, #tpu.memory_space<vmem>> -> memref<1x1x1x32xf32, #tpu.memory_space<vmem>>
        %dma_start3A_778 = tpu.memref_squeeze %dma_start3A_777 : memref<1x1x1x32xf32, #tpu.memory_space<vmem>> -> memref<32xf32, #tpu.memory_space<vmem>>
        %dma_start3A_779 = arith.constant 0 : i32
        %dma_start3A_780 = tpu.memref_slice %arg3[%squeeze3A_768, %dma_start3A_779] : memref<1000000x32xf32, #tpu.memory_space<hbm>> -> memref<1x32xf32, #tpu.memory_space<hbm>>
        %dma_start3A_781 = tpu.memref_squeeze %dma_start3A_780 : memref<1x32xf32, #tpu.memory_space<hbm>> -> memref<32xf32, #tpu.memory_space<hbm>>
        tpu.enqueue_dma source(%dma_start3A_781 : memref<32xf32, #tpu.memory_space<hbm>>) target(%dma_start3A_778 : memref<32xf32, #tpu.memory_space<vmem>>) target_semaphore(%arg7 : memref<!tpu.dma_semaphore, #tpu.memory_space<semaphore_mem>>)
        %slice3A_782 = vector.extract_strided_slice %get3A_115 {offsets = [12], sizes = [1], strides = [1]} : vector<16xi32> to vector<1xi32>
        %squeeze3A_783 = vector.extract %slice3A_782[0] : i32 from vector<1xi32>
        %dma_start3A_784 = arith.constant 44 : i32
        %dma_start3A_785 = arith.constant 0 : i32
        %dma_start3A_786 = tpu.memref_slice %arg6[%rem3A_41, %scan3A_92, %dma_start3A_784, %dma_start3A_785] : memref<2x8x50x32xf32, #tpu.memory_space<vmem>> -> memref<1x1x1x32xf32, #tpu.memory_space<vmem>>
        %dma_start3A_787 = tpu.memref_squeeze %dma_start3A_786 : memref<1x1x1x32xf32, #tpu.memory_space<vmem>> -> memref<32xf32, #tpu.memory_space<vmem>>
        %dma_start3A_788 = arith.constant 0 : i32
        %dma_start3A_789 = tpu.memref_slice %arg3[%squeeze3A_783, %dma_start3A_788] : memref<1000000x32xf32, #tpu.memory_space<hbm>> -> memref<1x32xf32, #tpu.memory_space<hbm>>
        %dma_start3A_790 = tpu.memref_squeeze %dma_start3A_789 : memref<1x32xf32, #tpu.memory_space<hbm>> -> memref<32xf32, #tpu.memory_space<hbm>>
        %dma_start3A_791 = arith.constant 0 : i32
        %dma_start3A_792 = tpu.memref_slice %arg6[%rem3A_41, %scan3A_92, %dma_start3A_784, %dma_start3A_791] : memref<2x8x50x32xf32, #tpu.memory_space<vmem>> -> memref<1x1x1x32xf32, #tpu.memory_space<vmem>>
        %dma_start3A_793 = tpu.memref_squeeze %dma_start3A_792 : memref<1x1x1x32xf32, #tpu.memory_space<vmem>> -> memref<32xf32, #tpu.memory_space<vmem>>
        %dma_start3A_794 = arith.constant 0 : i32
        %dma_start3A_795 = tpu.memref_slice %arg3[%squeeze3A_783, %dma_start3A_794] : memref<1000000x32xf32, #tpu.memory_space<hbm>> -> memref<1x32xf32, #tpu.memory_space<hbm>>
        %dma_start3A_796 = tpu.memref_squeeze %dma_start3A_795 : memref<1x32xf32, #tpu.memory_space<hbm>> -> memref<32xf32, #tpu.memory_space<hbm>>
        tpu.enqueue_dma source(%dma_start3A_796 : memref<32xf32, #tpu.memory_space<hbm>>) target(%dma_start3A_793 : memref<32xf32, #tpu.memory_space<vmem>>) target_semaphore(%arg7 : memref<!tpu.dma_semaphore, #tpu.memory_space<semaphore_mem>>)
        %slice3A_797 = vector.extract_strided_slice %get3A_115 {offsets = [13], sizes = [1], strides = [1]} : vector<16xi32> to vector<1xi32>
        %squeeze3A_798 = vector.extract %slice3A_797[0] : i32 from vector<1xi32>
        %dma_start3A_799 = arith.constant 45 : i32
        %dma_start3A_800 = arith.constant 0 : i32
        %dma_start3A_801 = tpu.memref_slice %arg6[%rem3A_41, %scan3A_92, %dma_start3A_799, %dma_start3A_800] : memref<2x8x50x32xf32, #tpu.memory_space<vmem>> -> memref<1x1x1x32xf32, #tpu.memory_space<vmem>>
        %dma_start3A_802 = tpu.memref_squeeze %dma_start3A_801 : memref<1x1x1x32xf32, #tpu.memory_space<vmem>> -> memref<32xf32, #tpu.memory_space<vmem>>
        %dma_start3A_803 = arith.constant 0 : i32
        %dma_start3A_804 = tpu.memref_slice %arg3[%squeeze3A_798, %dma_start3A_803] : memref<1000000x32xf32, #tpu.memory_space<hbm>> -> memref<1x32xf32, #tpu.memory_space<hbm>>
        %dma_start3A_805 = tpu.memref_squeeze %dma_start3A_804 : memref<1x32xf32, #tpu.memory_space<hbm>> -> memref<32xf32, #tpu.memory_space<hbm>>
        %dma_start3A_806 = arith.constant 0 : i32
        %dma_start3A_807 = tpu.memref_slice %arg6[%rem3A_41, %scan3A_92, %dma_start3A_799, %dma_start3A_806] : memref<2x8x50x32xf32, #tpu.memory_space<vmem>> -> memref<1x1x1x32xf32, #tpu.memory_space<vmem>>
        %dma_start3A_808 = tpu.memref_squeeze %dma_start3A_807 : memref<1x1x1x32xf32, #tpu.memory_space<vmem>> -> memref<32xf32, #tpu.memory_space<vmem>>
        %dma_start3A_809 = arith.constant 0 : i32
        %dma_start3A_810 = tpu.memref_slice %arg3[%squeeze3A_798, %dma_start3A_809] : memref<1000000x32xf32, #tpu.memory_space<hbm>> -> memref<1x32xf32, #tpu.memory_space<hbm>>
        %dma_start3A_811 = tpu.memref_squeeze %dma_start3A_810 : memref<1x32xf32, #tpu.memory_space<hbm>> -> memref<32xf32, #tpu.memory_space<hbm>>
        tpu.enqueue_dma source(%dma_start3A_811 : memref<32xf32, #tpu.memory_space<hbm>>) target(%dma_start3A_808 : memref<32xf32, #tpu.memory_space<vmem>>) target_semaphore(%arg7 : memref<!tpu.dma_semaphore, #tpu.memory_space<semaphore_mem>>)
        %slice3A_812 = vector.extract_strided_slice %get3A_115 {offsets = [14], sizes = [1], strides = [1]} : vector<16xi32> to vector<1xi32>
        %squeeze3A_813 = vector.extract %slice3A_812[0] : i32 from vector<1xi32>
        %dma_start3A_814 = arith.constant 46 : i32
        %dma_start3A_815 = arith.constant 0 : i32
        %dma_start3A_816 = tpu.memref_slice %arg6[%rem3A_41, %scan3A_92, %dma_start3A_814, %dma_start3A_815] : memref<2x8x50x32xf32, #tpu.memory_space<vmem>> -> memref<1x1x1x32xf32, #tpu.memory_space<vmem>>
        %dma_start3A_817 = tpu.memref_squeeze %dma_start3A_816 : memref<1x1x1x32xf32, #tpu.memory_space<vmem>> -> memref<32xf32, #tpu.memory_space<vmem>>
        %dma_start3A_818 = arith.constant 0 : i32
        %dma_start3A_819 = tpu.memref_slice %arg3[%squeeze3A_813, %dma_start3A_818] : memref<1000000x32xf32, #tpu.memory_space<hbm>> -> memref<1x32xf32, #tpu.memory_space<hbm>>
        %dma_start3A_820 = tpu.memref_squeeze %dma_start3A_819 : memref<1x32xf32, #tpu.memory_space<hbm>> -> memref<32xf32, #tpu.memory_space<hbm>>
        %dma_start3A_821 = arith.constant 0 : i32
        %dma_start3A_822 = tpu.memref_slice %arg6[%rem3A_41, %scan3A_92, %dma_start3A_814, %dma_start3A_821] : memref<2x8x50x32xf32, #tpu.memory_space<vmem>> -> memref<1x1x1x32xf32, #tpu.memory_space<vmem>>
        %dma_start3A_823 = tpu.memref_squeeze %dma_start3A_822 : memref<1x1x1x32xf32, #tpu.memory_space<vmem>> -> memref<32xf32, #tpu.memory_space<vmem>>
        %dma_start3A_824 = arith.constant 0 : i32
        %dma_start3A_825 = tpu.memref_slice %arg3[%squeeze3A_813, %dma_start3A_824] : memref<1000000x32xf32, #tpu.memory_space<hbm>> -> memref<1x32xf32, #tpu.memory_space<hbm>>
        %dma_start3A_826 = tpu.memref_squeeze %dma_start3A_825 : memref<1x32xf32, #tpu.memory_space<hbm>> -> memref<32xf32, #tpu.memory_space<hbm>>
        tpu.enqueue_dma source(%dma_start3A_826 : memref<32xf32, #tpu.memory_space<hbm>>) target(%dma_start3A_823 : memref<32xf32, #tpu.memory_space<vmem>>) target_semaphore(%arg7 : memref<!tpu.dma_semaphore, #tpu.memory_space<semaphore_mem>>)
        %slice3A_827 = vector.extract_strided_slice %get3A_115 {offsets = [15], sizes = [1], strides = [1]} : vector<16xi32> to vector<1xi32>
        %squeeze3A_828 = vector.extract %slice3A_827[0] : i32 from vector<1xi32>
        %dma_start3A_829 = arith.constant 47 : i32
        %dma_start3A_830 = arith.constant 0 : i32
        %dma_start3A_831 = tpu.memref_slice %arg6[%rem3A_41, %scan3A_92, %dma_start3A_829, %dma_start3A_830] : memref<2x8x50x32xf32, #tpu.memory_space<vmem>> -> memref<1x1x1x32xf32, #tpu.memory_space<vmem>>
        %dma_start3A_832 = tpu.memref_squeeze %dma_start3A_831 : memref<1x1x1x32xf32, #tpu.memory_space<vmem>> -> memref<32xf32, #tpu.memory_space<vmem>>
        %dma_start3A_833 = arith.constant 0 : i32
        %dma_start3A_834 = tpu.memref_slice %arg3[%squeeze3A_828, %dma_start3A_833] : memref<1000000x32xf32, #tpu.memory_space<hbm>> -> memref<1x32xf32, #tpu.memory_space<hbm>>
        %dma_start3A_835 = tpu.memref_squeeze %dma_start3A_834 : memref<1x32xf32, #tpu.memory_space<hbm>> -> memref<32xf32, #tpu.memory_space<hbm>>
        %dma_start3A_836 = arith.constant 0 : i32
        %dma_start3A_837 = tpu.memref_slice %arg6[%rem3A_41, %scan3A_92, %dma_start3A_829, %dma_start3A_836] : memref<2x8x50x32xf32, #tpu.memory_space<vmem>> -> memref<1x1x1x32xf32, #tpu.memory_space<vmem>>
        %dma_start3A_838 = tpu.memref_squeeze %dma_start3A_837 : memref<1x1x1x32xf32, #tpu.memory_space<vmem>> -> memref<32xf32, #tpu.memory_space<vmem>>
        %dma_start3A_839 = arith.constant 0 : i32
        %dma_start3A_840 = tpu.memref_slice %arg3[%squeeze3A_828, %dma_start3A_839] : memref<1000000x32xf32, #tpu.memory_space<hbm>> -> memref<1x32xf32, #tpu.memory_space<hbm>>
        %dma_start3A_841 = tpu.memref_squeeze %dma_start3A_840 : memref<1x32xf32, #tpu.memory_space<hbm>> -> memref<32xf32, #tpu.memory_space<hbm>>
        tpu.enqueue_dma source(%dma_start3A_841 : memref<32xf32, #tpu.memory_space<hbm>>) target(%dma_start3A_838 : memref<32xf32, #tpu.memory_space<vmem>>) target_semaphore(%arg7 : memref<!tpu.dma_semaphore, #tpu.memory_space<semaphore_mem>>)
        %slice3A_842 = vector.extract_strided_slice %get3A_123 {offsets = [14], sizes = [1], strides = [1]} : vector<16xi32> to vector<1xi32>
        %squeeze3A_843 = vector.extract %slice3A_842[0] : i32 from vector<1xi32>
        %dma_start3A_844 = arith.constant 48 : i32
        %dma_start3A_845 = arith.constant 0 : i32
        %dma_start3A_846 = tpu.memref_slice %arg6[%rem3A_41, %scan3A_92, %dma_start3A_844, %dma_start3A_845] : memref<2x8x50x32xf32, #tpu.memory_space<vmem>> -> memref<1x1x1x32xf32, #tpu.memory_space<vmem>>
        %dma_start3A_847 = tpu.memref_squeeze %dma_start3A_846 : memref<1x1x1x32xf32, #tpu.memory_space<vmem>> -> memref<32xf32, #tpu.memory_space<vmem>>
        %dma_start3A_848 = arith.constant 0 : i32
        %dma_start3A_849 = tpu.memref_slice %arg3[%squeeze3A_843, %dma_start3A_848] : memref<1000000x32xf32, #tpu.memory_space<hbm>> -> memref<1x32xf32, #tpu.memory_space<hbm>>
        %dma_start3A_850 = tpu.memref_squeeze %dma_start3A_849 : memref<1x32xf32, #tpu.memory_space<hbm>> -> memref<32xf32, #tpu.memory_space<hbm>>
        %dma_start3A_851 = arith.constant 0 : i32
        %dma_start3A_852 = tpu.memref_slice %arg6[%rem3A_41, %scan3A_92, %dma_start3A_844, %dma_start3A_851] : memref<2x8x50x32xf32, #tpu.memory_space<vmem>> -> memref<1x1x1x32xf32, #tpu.memory_space<vmem>>
        %dma_start3A_853 = tpu.memref_squeeze %dma_start3A_852 : memref<1x1x1x32xf32, #tpu.memory_space<vmem>> -> memref<32xf32, #tpu.memory_space<vmem>>
        %dma_start3A_854 = arith.constant 0 : i32
        %dma_start3A_855 = tpu.memref_slice %arg3[%squeeze3A_843, %dma_start3A_854] : memref<1000000x32xf32, #tpu.memory_space<hbm>> -> memref<1x32xf32, #tpu.memory_space<hbm>>
        %dma_start3A_856 = tpu.memref_squeeze %dma_start3A_855 : memref<1x32xf32, #tpu.memory_space<hbm>> -> memref<32xf32, #tpu.memory_space<hbm>>
        tpu.enqueue_dma source(%dma_start3A_856 : memref<32xf32, #tpu.memory_space<hbm>>) target(%dma_start3A_853 : memref<32xf32, #tpu.memory_space<vmem>>) target_semaphore(%arg7 : memref<!tpu.dma_semaphore, #tpu.memory_space<semaphore_mem>>)
        %slice3A_857 = vector.extract_strided_slice %get3A_123 {offsets = [15], sizes = [1], strides = [1]} : vector<16xi32> to vector<1xi32>
        %squeeze3A_858 = vector.extract %slice3A_857[0] : i32 from vector<1xi32>
        %dma_start3A_859 = arith.constant 49 : i32
        %dma_start3A_860 = arith.constant 0 : i32
        %dma_start3A_861 = tpu.memref_slice %arg6[%rem3A_41, %scan3A_92, %dma_start3A_859, %dma_start3A_860] : memref<2x8x50x32xf32, #tpu.memory_space<vmem>> -> memref<1x1x1x32xf32, #tpu.memory_space<vmem>>
        %dma_start3A_862 = tpu.memref_squeeze %dma_start3A_861 : memref<1x1x1x32xf32, #tpu.memory_space<vmem>> -> memref<32xf32, #tpu.memory_space<vmem>>
        %dma_start3A_863 = arith.constant 0 : i32
        %dma_start3A_864 = tpu.memref_slice %arg3[%squeeze3A_858, %dma_start3A_863] : memref<1000000x32xf32, #tpu.memory_space<hbm>> -> memref<1x32xf32, #tpu.memory_space<hbm>>
        %dma_start3A_865 = tpu.memref_squeeze %dma_start3A_864 : memref<1x32xf32, #tpu.memory_space<hbm>> -> memref<32xf32, #tpu.memory_space<hbm>>
        %dma_start3A_866 = arith.constant 0 : i32
        %dma_start3A_867 = tpu.memref_slice %arg6[%rem3A_41, %scan3A_92, %dma_start3A_859, %dma_start3A_866] : memref<2x8x50x32xf32, #tpu.memory_space<vmem>> -> memref<1x1x1x32xf32, #tpu.memory_space<vmem>>
        %dma_start3A_868 = tpu.memref_squeeze %dma_start3A_867 : memref<1x1x1x32xf32, #tpu.memory_space<vmem>> -> memref<32xf32, #tpu.memory_space<vmem>>
        %dma_start3A_869 = arith.constant 0 : i32
        %dma_start3A_870 = tpu.memref_slice %arg3[%squeeze3A_858, %dma_start3A_869] : memref<1000000x32xf32, #tpu.memory_space<hbm>> -> memref<1x32xf32, #tpu.memory_space<hbm>>
        %dma_start3A_871 = tpu.memref_squeeze %dma_start3A_870 : memref<1x32xf32, #tpu.memory_space<hbm>> -> memref<32xf32, #tpu.memory_space<hbm>>
        tpu.enqueue_dma source(%dma_start3A_871 : memref<32xf32, #tpu.memory_space<hbm>>) target(%dma_start3A_868 : memref<32xf32, #tpu.memory_space<vmem>>) target_semaphore(%arg7 : memref<!tpu.dma_semaphore, #tpu.memory_space<semaphore_mem>>)
      }
      %scan3A_60 = arith.constant 8 : i32
      %dma_wait3A_61 = arith.constant 0 : i32
      %dma_wait3A_62 = arith.constant 0 : i32
      %dma_wait3A_63 = arith.constant 0 : i32
      %dma_wait3A_64 = tpu.memref_slice %arg6[%rem3A_41, %dma_wait3A_61, %dma_wait3A_62, %dma_wait3A_63] : memref<2x8x50x32xf32, #tpu.memory_space<vmem>> -> memref<1x8x50x32xf32, #tpu.memory_space<vmem>>
      %dma_wait3A_65 = tpu.memref_squeeze %dma_wait3A_64 : memref<1x8x50x32xf32, #tpu.memory_space<vmem>> -> memref<8x50x32xf32, #tpu.memory_space<vmem>>
      %dma_wait3A_66 = arith.constant 0 : i32
      %dma_wait3A_67 = arith.constant 0 : i32
      %dma_wait3A_68 = tpu.memref_slice %arg4[%add3A_44, %dma_wait3A_66, %dma_wait3A_67] : memref<4096x50x32xf32, #tpu.memory_space<hbm>> -> memref<8x50x32xf32, #tpu.memory_space<hbm>>
      %dma_wait3A_69 = arith.constant 0 : i32
      %dma_wait3A_70 = arith.constant 0 : i32
      %dma_wait3A_71 = arith.constant 0 : i32
      %dma_wait3A_72 = tpu.memref_slice %arg6[%rem3A_41, %dma_wait3A_69, %dma_wait3A_70, %dma_wait3A_71] : memref<2x8x50x32xf32, #tpu.memory_space<vmem>> -> memref<1x8x50x32xf32, #tpu.memory_space<vmem>>
      %dma_wait3A_73 = tpu.memref_squeeze %dma_wait3A_72 : memref<1x8x50x32xf32, #tpu.memory_space<vmem>> -> memref<8x50x32xf32, #tpu.memory_space<vmem>>
      %dma_wait3A_74 = arith.constant 0 : i32
      %dma_wait3A_75 = arith.constant 0 : i32
      %dma_wait3A_76 = tpu.memref_slice %arg4[%add3A_44, %dma_wait3A_74, %dma_wait3A_75] : memref<4096x50x32xf32, #tpu.memory_space<hbm>> -> memref<8x50x32xf32, #tpu.memory_space<hbm>>
      tpu.wait_dma2 semaphore(%arg7 : memref<!tpu.dma_semaphore, #tpu.memory_space<semaphore_mem>>) src(%dma_wait3A_76 : memref<8x50x32xf32, #tpu.memory_space<hbm>>) dst(%dma_wait3A_73 : memref<8x50x32xf32, #tpu.memory_space<vmem>>)
      %dma_start3A = arith.constant 0 : i32
      %dma_start3A_77 = arith.constant 0 : i32
      %dma_start3A_78 = arith.constant 0 : i32
      %dma_start3A_79 = tpu.memref_slice %arg6[%rem3A_41, %dma_start3A, %dma_start3A_77, %dma_start3A_78] : memref<2x8x50x32xf32, #tpu.memory_space<vmem>> -> memref<1x8x50x32xf32, #tpu.memory_space<vmem>>
      %dma_start3A_80 = tpu.memref_squeeze %dma_start3A_79 : memref<1x8x50x32xf32, #tpu.memory_space<vmem>> -> memref<8x50x32xf32, #tpu.memory_space<vmem>>
      %dma_start3A_81 = arith.constant 0 : i32
      %dma_start3A_82 = arith.constant 0 : i32
      %dma_start3A_83 = tpu.memref_slice %arg4[%add3A_44, %dma_start3A_81, %dma_start3A_82] : memref<4096x50x32xf32, #tpu.memory_space<hbm>> -> memref<8x50x32xf32, #tpu.memory_space<hbm>>
      %dma_start3A_84 = arith.constant 0 : i32
      %dma_start3A_85 = arith.constant 0 : i32
      %dma_start3A_86 = tpu.memref_slice %arg4[%add3A_44, %dma_start3A_84, %dma_start3A_85] : memref<4096x50x32xf32, #tpu.memory_space<hbm>> -> memref<8x50x32xf32, #tpu.memory_space<hbm>>
      %dma_start3A_87 = arith.constant 0 : i32
      %dma_start3A_88 = arith.constant 0 : i32
      %dma_start3A_89 = arith.constant 0 : i32
      %dma_start3A_90 = tpu.memref_slice %arg6[%rem3A_41, %dma_start3A_87, %dma_start3A_88, %dma_start3A_89] : memref<2x8x50x32xf32, #tpu.memory_space<vmem>> -> memref<1x8x50x32xf32, #tpu.memory_space<vmem>>
      %dma_start3A_91 = tpu.memref_squeeze %dma_start3A_90 : memref<1x8x50x32xf32, #tpu.memory_space<vmem>> -> memref<8x50x32xf32, #tpu.memory_space<vmem>>
      tpu.enqueue_dma source(%dma_start3A_91 : memref<8x50x32xf32, #tpu.memory_space<vmem>>) target(%dma_start3A_86 : memref<8x50x32xf32, #tpu.memory_space<hbm>>) target_semaphore(%arg8 : memref<!tpu.dma_semaphore, #tpu.memory_space<semaphore_mem>>)
    }
    %scan3A_6 = arith.constant 16 : i32
    %dma_wait3A = arith.constant 0 : i32
    %dma_wait3A_7 = arith.constant 0 : i32
    %dma_wait3A_8 = arith.constant 0 : i32
    %dma_wait3A_9 = arith.constant 0 : i32
    %dma_wait3A_10 = tpu.memref_slice %arg6[%dma_wait3A, %dma_wait3A_7, %dma_wait3A_8, %dma_wait3A_9] : memref<2x8x50x32xf32, #tpu.memory_space<vmem>> -> memref<1x8x50x32xf32, #tpu.memory_space<vmem>>
    %dma_wait3A_11 = tpu.memref_squeeze %dma_wait3A_10 : memref<1x8x50x32xf32, #tpu.memory_space<vmem>> -> memref<8x50x32xf32, #tpu.memory_space<vmem>>
    %dma_wait3A_12 = arith.constant 0 : i32
    %dma_wait3A_13 = arith.constant 0 : i32
    %dma_wait3A_14 = tpu.memref_slice %arg4[%mul3A_2, %dma_wait3A_12, %dma_wait3A_13] : memref<4096x50x32xf32, #tpu.memory_space<hbm>> -> memref<8x50x32xf32, #tpu.memory_space<hbm>>
    %dma_wait3A_15 = arith.constant 0 : i32
    %dma_wait3A_16 = arith.constant 0 : i32
    %dma_wait3A_17 = tpu.memref_slice %arg4[%mul3A_2, %dma_wait3A_15, %dma_wait3A_16] : memref<4096x50x32xf32, #tpu.memory_space<hbm>> -> memref<8x50x32xf32, #tpu.memory_space<hbm>>
    %dma_wait3A_18 = arith.constant 0 : i32
    %dma_wait3A_19 = arith.constant 0 : i32
    %dma_wait3A_20 = arith.constant 0 : i32
    %dma_wait3A_21 = tpu.memref_slice %arg6[%dma_wait3A, %dma_wait3A_18, %dma_wait3A_19, %dma_wait3A_20] : memref<2x8x50x32xf32, #tpu.memory_space<vmem>> -> memref<1x8x50x32xf32, #tpu.memory_space<vmem>>
    %dma_wait3A_22 = tpu.memref_squeeze %dma_wait3A_21 : memref<1x8x50x32xf32, #tpu.memory_space<vmem>> -> memref<8x50x32xf32, #tpu.memory_space<vmem>>
    tpu.wait_dma2 semaphore(%arg8 : memref<!tpu.dma_semaphore, #tpu.memory_space<semaphore_mem>>) src(%dma_wait3A_22 : memref<8x50x32xf32, #tpu.memory_space<vmem>>) dst(%dma_wait3A_17 : memref<8x50x32xf32, #tpu.memory_space<hbm>>)
    %dma_wait3A_23 = arith.constant 1 : i32
    %dma_wait3A_24 = arith.constant 0 : i32
    %dma_wait3A_25 = arith.constant 0 : i32
    %dma_wait3A_26 = arith.constant 0 : i32
    %dma_wait3A_27 = tpu.memref_slice %arg6[%dma_wait3A_23, %dma_wait3A_24, %dma_wait3A_25, %dma_wait3A_26] : memref<2x8x50x32xf32, #tpu.memory_space<vmem>> -> memref<1x8x50x32xf32, #tpu.memory_space<vmem>>
    %dma_wait3A_28 = tpu.memref_squeeze %dma_wait3A_27 : memref<1x8x50x32xf32, #tpu.memory_space<vmem>> -> memref<8x50x32xf32, #tpu.memory_space<vmem>>
    %dma_wait3A_29 = arith.constant 0 : i32
    %dma_wait3A_30 = arith.constant 0 : i32
    %dma_wait3A_31 = tpu.memref_slice %arg4[%mul3A_2, %dma_wait3A_29, %dma_wait3A_30] : memref<4096x50x32xf32, #tpu.memory_space<hbm>> -> memref<8x50x32xf32, #tpu.memory_space<hbm>>
    %dma_wait3A_32 = arith.constant 0 : i32
    %dma_wait3A_33 = arith.constant 0 : i32
    %dma_wait3A_34 = tpu.memref_slice %arg4[%mul3A_2, %dma_wait3A_32, %dma_wait3A_33] : memref<4096x50x32xf32, #tpu.memory_space<hbm>> -> memref<8x50x32xf32, #tpu.memory_space<hbm>>
    %dma_wait3A_35 = arith.constant 0 : i32
    %dma_wait3A_36 = arith.constant 0 : i32
    %dma_wait3A_37 = arith.constant 0 : i32
    %dma_wait3A_38 = tpu.memref_slice %arg6[%dma_wait3A_23, %dma_wait3A_35, %dma_wait3A_36, %dma_wait3A_37] : memref<2x8x50x32xf32, #tpu.memory_space<vmem>> -> memref<1x8x50x32xf32, #tpu.memory_space<vmem>>
    %dma_wait3A_39 = tpu.memref_squeeze %dma_wait3A_38 : memref<1x8x50x32xf32, #tpu.memory_space<vmem>> -> memref<8x50x32xf32, #tpu.memory_space<vmem>>
    tpu.wait_dma2 semaphore(%arg8 : memref<!tpu.dma_semaphore, #tpu.memory_space<semaphore_mem>>) src(%dma_wait3A_39 : memref<8x50x32xf32, #tpu.memory_space<vmem>>) dst(%dma_wait3A_34 : memref<8x50x32xf32, #tpu.memory_space<hbm>>)
    return
  }
}

</mosaic_0001>

<sc_bundles>
// kernel: kernel.3.cloned.1.call-start
scs
__scs_entry_jumppad:
0x0: {  	(pc) =	sbr.rel $0x88, $3  }
0x1: {  	(tag) =	ssettag $0x0;
	lr =	simm.s32 $0x1  }
0x2: {  	[smem:$0x3F9F] =	sst lr;
	_ =	strace $0xD0000000  }
0x3: {  	_ = 	snop  }
0x4: {  	_ = 	snop  }
0x5: {  	_ = 	snop  }
0x6: {  	_ = 	snop  }
0x7: {  	_ = 	snop  }
__scs_overlays_trampoline_lowered:
0x8: {  	[smem:$0x3FAE] =	sst s0  }
0x9: {  	[smem:$0x3FAF] =	sst s1  }
0xa: {  	[smem:$0x3FB0] =	sst s2  }
0xb: {  	[smem:$0x3FB1] =	sst s3  }
0xc: {  	[smem:$0x3FB2] =	sst s4  }
0xd: {  	[smem:$0x3FB3] =	sst s5  }
0xe: {  	[smem:$0x3FB4] =	sst s6  }
0xf: {  	[smem:$0x3FB5] =	sst s7  }
0x10: {  	[smem:$0x3FB6] =	sst s8  }
0x11: {  	[smem:$0x3FB7] =	sst s9;
	s0 =	simm.s32 @!p0 $0x0  }
0x12: {  	s1 =	sld [smem:$0x3F9D];
	s0 =	simm.s32 @p0 $0x1  }
0x13: {  	[smem:$0x3FB8] =	sst s0;
	s0 =	simm.s32 @!p1 $0x0  }
0x14: {  	s2 =	sld [smem:$0x3F9C];
	s0 =	simm.s32 @p1 $0x1  }
0x15: {  	[smem:$0x3FB9] =	sst s0;
	s0 =	simm.s32 @!p2 $0x0  }
0x16: {  	s3 =	sld [smem:$0x3FDB];
	s0 =	simm.s32 @p2 $0x1  }
0x17: {  	s4 =	simm.s32 $0x1BF5;
	[smem:$0x3FBB] =	sst s0  }
0x18: {  	s0 =	sld [smem:$0x3F9E];
	_ =	swait.ge [sflag:s4], $0x0  }
0x19: {  	s7 =	sld [smem:$0x3F9F]  }
0x1a: {  	s8 =	sadd.s32 $0xFFFFE003, lr  }
0x1b: {  	s9 =	sadd.s32 $0xFFFFFEF7, lr;
	s5 =	simm.s32 $0xFFFFFFFF;
	p2 =	slt.u32 s8, $0xFFFFF086  }
0x1c: {  	p1 =	slt.u32 s9, $0xF7A;
	s5 =	simm.s32 @!p2 $0x0  }
0x1d: {  	s5 =	simm.s32 @p1 $0x1;
	p0 =	seq.s32 s7, s2  }
0x1e: {  	s7 =	smul.u32 @!p0 $0xF7A, s2;
	p2 =	seq.s32 @!p0 s5, $0x0  }
0x1f: {  	s9 =	smul.u32 $0xF7A, s1;
	s8 =	simm.s32 @!p0 $0x1BF5;
	p2 =	por !p2, p0  }
0x20: {  	[sflag:s8] =	ssyncset.s32 @!p0 $0xFFFFF086;
	s6 =	sadd.s32 @!p0 s3, s7;
	s7 =	simm.s32 @!p0 $0x108  }
0x21: {  	s3 =	sadd.s32 s3, s9;
	s6 =	sadd.s32 @!p0 $0x88, s6;
	s7 =	simm.s32 @p2 $0x1082  }
0x22: {  	[simem:s7], [sflag:s8] =	dma.local @!p0 [hbm:s6], $0xF7A  }
0x23: {  	s9 =	sor.u32 $0xD0000000, s2;
	s6 =	simm.s32 $0x108;
	_ =	swait.ge @!p0 [sflag:s8], $0x0  }
0x24: {  	s3 =	sadd.s32 $0x88, s3;
	s6 =	simm.s32 @!p1 $0x1082;
	[sflag:s4] =	ssyncset.s32 $0xFFFFF086  }
0x25: {  	[simem:s6], [sflag:s4] =	dma.local [hbm:s3], $0xF7A  }
0x26: {  	[smem:$0x3F9F] =	sst s1;
	(tag) =	ssettag s2;
	_ =	strace s9  }
0x27: {  	s1 =	sld [smem:$0x3FAF]  }
0x28: {  	s2 =	sld [smem:$0x3FB0]  }
0x29: {  	s4 =	sld [smem:$0x3FB2]  }
0x2a: {  	p0 =	seq.s32 s5, $0x0;
	s5 =	sld [smem:$0x3FB3]  }
0x2b: {  	s6 =	sld [smem:$0x3FB4]  }
0x2c: {  	s7 =	sld [smem:$0x3FB5]  }
0x2d: {  	s3 =	simm.s32 $0x108;
	s8 =	sld [smem:$0x3FB6]  }
0x2e: {  	s3 =	simm.s32 @!p0 $0x1082;
	s9 =	sld [smem:$0x3FB7]  }
0x2f: {  	lr =	sadd.s32 s0, s3;
	s0 =	sld [smem:$0x3FAE]  }
0x30: {  	s3 =	sld [smem:$0x3FB1]  }
0x31: {  	[smem:$0x3FBA] =	sst s10  }
0x32: {  	s10 =	sld [smem:$0x3FB8];
	_ =	sdelay $0x3  }
0x33: {  	p0 =	seq.s32 s10, $0x1;
	s10 =	sld [smem:$0x3FBA];
	_ =	sdelay $0x3  }
0x34: {  	[smem:$0x3FBA] =	sst s10  }
0x35: {  	s10 =	sld [smem:$0x3FB9];
	_ =	sdelay $0x3  }
0x36: {  	p1 =	seq.s32 s10, $0x1;
	s10 =	sld [smem:$0x3FBA];
	_ =	sdelay $0x3  }
0x37: {  	[smem:$0x3FBA] =	sst s10  }
0x38: {  	s10 =	sld [smem:$0x3FBB]  }
0x39: {  	_ = 	snop;
	(pc) =	sbr.ind lr, $3  }
0x3a: {  	_ = 	snop  }
0x3b: {  	_ = 	snop  }
0x3c: {  	p2 =	seq.s32 s10, $0x1;
	s10 =	sld [smem:$0x3FBA]  }
0x3d: {  	_ =	shalt  }
0x3e: {  	_ =	shalt  }
0x3f: {  	_ =	shalt  }
0x40: {  	_ =	shalt  }
0x41: {  	_ =	shalt  }
0x42: {  	_ =	shalt  }
0x43: {  	_ =	shalt  }
0x44: {  	_ =	shalt  }
0x45: {  	_ =	shalt  }
0x46: {  	_ =	shalt  }
0x47: {  	_ =	shalt  }
0x48: {  	_ =	shalt  }
0x49: {  	_ =	shalt  }
0x4a: {  	_ =	shalt  }
0x4b: {  	_ =	shalt  }
0x4c: {  	_ =	shalt  }
0x4d: {  	_ =	shalt  }
0x4e: {  	_ =	shalt  }
0x4f: {  	_ =	shalt  }
0x50: {  	_ =	shalt  }
0x51: {  	_ =	shalt  }
0x52: {  	_ =	shalt  }
0x53: {  	_ =	shalt  }
0x54: {  	_ =	shalt  }
0x55: {  	_ =	shalt  }
0x56: {  	_ =	shalt  }
0x57: {  	_ =	shalt  }
0x58: {  	_ =	shalt  }
0x59: {  	_ =	shalt  }
0x5a: {  	_ =	shalt  }
0x5b: {  	_ =	shalt  }
0x5c: {  	_ =	shalt  }
0x5d: {  	_ =	shalt  }
0x5e: {  	_ =	shalt  }
0x5f: {  	_ =	shalt  }
0x60: {  	_ =	shalt  }
0x61: {  	_ =	shalt  }
0x62: {  	_ =	shalt  }
0x63: {  	_ =	shalt  }
0x64: {  	_ =	shalt  }
0x65: {  	_ =	shalt  }
0x66: {  	_ =	shalt  }
0x67: {  	_ =	shalt  }
0x68: {  	_ =	shalt  }
0x69: {  	_ =	shalt  }
0x6a: {  	_ =	shalt  }
0x6b: {  	_ =	shalt  }
0x6c: {  	_ =	shalt  }
0x6d: {  	_ =	shalt  }
0x6e: {  	_ =	shalt  }
0x6f: {  	_ =	shalt  }
0x70: {  	_ =	shalt  }
0x71: {  	_ =	shalt  }
0x72: {  	_ =	shalt  }
0x73: {  	_ =	shalt  }
0x74: {  	_ =	shalt  }
0x75: {  	_ =	shalt  }
0x76: {  	_ =	shalt  }
0x77: {  	_ =	shalt  }
0x78: {  	_ =	shalt  }
0x79: {  	_ =	shalt  }
0x7a: {  	_ =	shalt  }
0x7b: {  	_ =	shalt  }
0x7c: {  	_ =	shalt  }
0x7d: {  	_ =	shalt  }
0x7e: {  	_ =	shalt  }
0x7f: {  	_ =	shalt  }
0x80: {  	_ =	shalt  }
0x81: {  	_ =	shalt  }
0x82: {  	_ =	shalt  }
0x83: {  	_ =	shalt  }
0x84: {  	_ =	shalt  }
0x85: {  	_ =	shalt  }
0x86: {  	_ =	shalt  }
0x87: {  	_ =	shalt  }
.Lfunc_end0:
.L_simem_size_0:
called_computation_lowered:
.L_overlay_start_0:
0x88: {  	s2 =	sld [smem:$0x3FD9]  }
0x89: {  	s3 =	sld [smem:$0x3FFE];
	_ =	sdelay $0x1  }
0x8a: {  	s1 =	srdreg.scid  }
0x8b: {  	s0 =	sand.u32 $0x1, s1  }
0x8c: {  	s17 =	sshll.u32 s0, $0xA;
	s2 =	sadd.s32 s3, s2  }
0x8d: {  	s2 =	sadd.s32 s2, s17  }
0x8e: {  	[smem:$0x3FC6] =	sst s2  }
0x8f: {  	_ = 	snop  }
0x90: {  	s2 =	sld [smem:$0x3FD0];
	(tm) =	ssettm $0x1  }
0x91: {  	s18 =	sld [smem:$0x3FFB];
	_ =	sdelay $0x3  }
0x92: {  	_ =	strace s18  }
0x93: {  	s3 =	sld [smem:$0x3FFC];
	_ =	sdelay $0x3  }
0x94: {  	_ =	strace s3  }
0x95: {  	s3 =	sld [smem:$0x3FFD];
	_ =	sdelay $0x3  }
0x96: {  	_ =	strace s3  }
0x97: {  	_ =	strace $0x8FFFFFFF  }
0x98: {  	s19 =	sld [smem:$0x3FDB];
	_ =	sdelay $0x1  }
0x99: {  	s4 =	simm.s32 $_scs_section_size  }
0x9a: {  	s5 =	simm.s32 $_size__tile_overlayer_lowered;
	s6 =	simm.s32 $_tile_overlayer_lowered  }
0x9b: {  	s22 =	simm.s32 $0x1BFF;
	s21 =	sshll.u32 s6, $0x1;
	s3 =	sadd.s32 s4, s19  }
0x9c: {  	s7 =	simm.s32 $0x0;
	s20 =	sshll.u32 s5, $0x1;
	s5 =	sadd.s32 s21, s3  }
0x9d: {  	[timem:s7], [sflag:s22] =	dma.local [hbm:s5], s20  }
0x9e: {  	_ =	swait.ge [sflag:s22], s20  }
0x9f: {  	s4 =	ssub.s32 $0x0, s20;
	[sflag:s22] =	ssyncset.done $0x0  }
0xa0: {  	[sflag:s22] =	ssyncadd.s32 s4;
	_ =	sdelay $0x1  }
0xa1: {  	s23 =	simm.s32 $0x1B8B  }
0xa2: {  	_ =	swait.ge [sflag:s23], $0x1  }
0xa3: {  	[sflag:s23] =	ssyncset.done $0x0  }
0xa4: {  	s25 =	simm.s32 $0x1B8E;
	s24 =	sld [smem:$0x3FFE];
	[sflag:s23] =	ssyncadd.s32 $0xFFFFFFFF  }
0xa5: {  	s26 =	simm.s32 $execute0_lowered;
	[smem:$0x3FD2] =	sst s25  }
0xa6: {  	s5 =	sshll.u32 s26, $0x1;
	_ =	strace $0x80000046;
	[dreg:$0x1] =	wrdreg $0xFFFFFFFF  }
0xa7: {  	s28 =	simm.s32 $_size_execute0_lowered;
	s3 =	sadd.s32 s3, s5;
	[dreg:$0x0] =	wrdreg $0x0  }
0xa8: {  	s5 =	sshll.u32 s28, $0x1;
	[dreg:$0x2] =	wrdreg s3  }
0xa9: {  	[dreg:$0x3] =	wrdreg s5  }
0xaa: {  	[dreg:$0x4] =	wrdreg $0xC0  }
0xab: {  	_ =	task [dreg:s7], $0x5FFFF  }
0xac: {  	[dreg:$0x1] =	wrdreg $0xFFFFFFFF  }
0xad: {  	[dreg:$0x0] =	wrdreg $0x60  }
0xae: {  	[dreg:$0x2] =	wrdreg s2  }
0xaf: {  	[dreg:$0x3] =	wrdreg s24  }
0xb0: {  	[dreg:$0x4] =	wrdreg $0x9  }
0xb1: {  	_ =	task.clear_ibuf [dreg:s7], $0x5FFFF;
	_ =	strace $0x90000046  }
0xb2: {  	s29 =	simm.s32 $0x9;
	_ =	strace $0x80000048  }
0xb3: {  	_ =	swait.ge [sflag:s29], $0x1  }
0xb4: {  	[sflag:s29] =	ssyncadd.s32 $0xFFFFFFFF  }
0xb5: {  	_ =	strace $0x90000048  }
0xb6: {  	_ =	sfence  }
0xb7: {  	s30 =	sld [smem:$0x0];
	_ =	sdelay $0x2  }
0xb8: {  	s31 =	sshll.u32 s1, $0xD;
	s1 =	sshrl.u32 s1, $0x2  }
0xb9: {  	s3 =	sand.u32 $0x4000, s31;
	s1 =	sadd.s32 s1, s30  }
0xba: {  	s0 =	sor.u32 s3, s0;
	s1 =	sshll.u32 s1, $0x11  }
0xbb: {  	s0 =	sor.u32 s1, s0  }
0xbc: {  	s0 =	sadd.s32 $0x8F2B, s0  }
0xbd: {  	[sflag:s0] =	ssyncadd.remote.s32 $0x1  }
0xbe: {  	_ =	sfence.sel $0xFFFF  }
0xbf: {  	[dreg:$0x0] =	wrdreg $0xFFFFFFFF;
	(pc) =	sbr.abs _section_cstart, $3  }
0xc0: {  	[dreg:$0x1] =	wrdreg $0xFFFFFFFF  }
0xc1: {  	_ =	task.clear_ibuf [dreg:s7], $0x2FFFF;
	_ =	strace $0x9FFFFFFF  }
0xc2: {  	(tm) =	ssettm $0x7FFFFFFF  }
0xc3: {  	_ =	shalt  }
tec
execute0_lowered:
.L_overlay_start_1:
0x0: {  	(tag) =	ssettag $0x1  }
0x1: {  	s0 =	rddreg [dreg:$0x0]  }
0x2: {  	s1 =	rddreg [dreg:$0x1];
	s2 =	simm.s32 $0x0;
	s3 =	srdreg.scid  }
0x3: {  	s5 =	stileid.u32;
	[smem:$0x7FF] =	sst s2;
	s4 =	sand.u32 $0x1, s3  }
0x4: {  	s5 =	sshll.u32 s5, $0x8;
	s3 =	sadd.s32 $0x400, s1;
	s6 =	sshll.u32 s4, $0x7  }
0x5: {  	s1 =	sadd.s32 $0xF42800, s1;
	_ =	strace $0x80000047;
	s5 =	sor.u32 s6, s5  }
0x6: {  	s4 =	ssub.s32 $0x2, s4;
	[dreg:$0x1b] =	wrdreg s5;
	s5 =	sshll.u32 s5, $0x4  }
0x7: {  	[dreg:$0x1c] =	wrdreg s1;
	s29 =	sshrl.u32 s4, $0x1;
	s30 =	sadd.s32 s0, s5  }
0x8: {  	s1 =	ssub.s32 s4, s29;
	s0 =	sadd.s32 $0x80, s0;
	[dreg:$0x1d] =	wrdreg s30  }
0x9: {  	s31 =	smax.u32 s1, $0x1;
	[dreg:$0x1e] =	wrdreg s0  }
0xa: {  	s4 =	simm.s32 $0x0;
	[dreg:$0x1f] =	wrdreg s31  }
.LBB2_1:
0xb: {  	[smem:$0x7FD] =	sst s4  }
0xc: {  	s0 =	rddreg [dreg:$0x1d];
	s31 =	simm.s32 $0x4  }
0xd: {  	[tilespmem:s2], [sflag:$0x4] =	stream.linear.gather [hbm4b:s0+s2], $0x400, $0x38;
	[tilespmem:$0x1C800] =	vst v63  }
0xe: {  	_ =	swait.ge [sflag:s31], $0x400  }
0xf: {  	[sflag:s31] =	ssyncset.done $0x0  }
0x10: {  	p0 =	por $0x0, $0x0;
	s6 =	simm.s32 $0x0;
	[sflag:s31] =	ssyncadd.s32 $0xFFFFFC00  }
.LBB2_2:
0x11: {  	p1 =	slt.u32 s6, $0x2  }
.Ltmp0:
0x12: {  	_ = 	snop;
	(pc) =	sbr.rel @p1 .LBB2_4-.Ltmp0, $3  }
0x13: {  	_ =	sdelay $0x1  }
0x14: {  	s1 =	sshll.u32 s6, $0x3;
	s4 =	rddreg [dreg:$0x1b]  }
0x15: {  	s0 =	sand.u32 $0x1, s6;
	s7 =	sadd.s32 s4, s1  }
.Ltmp1:
0x16: {  	(pc) =	sbr.rel .LBB2_5-.Ltmp1, $4  }
0x17: {  	s1 =	simm.s32 $0x2  }
0x18: {  	_ =	swait.ge [sflag:s1], $0xC800  }
0x19: {  	[sflag:s1] =	ssyncset.done $0x0  }
0x1a: {  	[sflag:s1] =	ssyncadd.s32 $0xFFFF3800  }
.LBB2_4:
0x1b: {  	p1 =	seq.s32 s6, $0x0  }
.Ltmp2:
0x1c: {  	_ = 	snop;
	(pc) =	sbr.rel @p1 .LBB2_6-.Ltmp2, $1  }
0x1d: {  	_ =	sdelay $0x3  }
.LBB2_5:
0x1e: {  	p1 =	seq.s32 s6, $0xF  }
.Ltmp3:
0x1f: {  	_ = 	snop;
	(pc) =	sbr.rel @p1 .LBB2_7-.Ltmp3, $4  }
0x20: {  	s1 =	simm.s32 $0x3  }
0x21: {  	_ =	swait.ge [sflag:s1], $0x400  }
0x22: {  	[sflag:s1] =	ssyncset.done $0x0  }
0x23: {  	[sflag:s1] =	ssyncadd.s32 $0xFFFFFC00  }
.LBB2_6:
0x24: {  	s1 =	sshll.u32 s7, $0x4;
	s4 =	sshll.u32 s0, $0xA;
	s5 =	rddreg [dreg:$0x1e]  }
0x25: {  	s4 =	sxor.u32 $0x400, s4;
	s1 =	sadd.s32 s1, s5  }
0x26: {  	[tilespmem:s4], [sflag:$0x3] =	stream.linear.gather [hbm4b:s1+s2], $0x400, $0x38;
	[tilespmem:$0x1C800] =	vst v63  }
.LBB2_7:
0x27: {  	s1 =	simm.s32 $0x1  }
0x28: {  	s1 =	simm.s32 @!p0 $0x0  }
0x29: {  	s4 =	sshll.u32 s1, $0xA  }
0x2a: {  	s4 =	sor.u32 $0x20, s4  }
0x2b: {  	v0 =	vld [tilespmem:s4+$0xFFFFFFE0];
	_ =	sdelay $0x4  }
0x2c: {  	v2 =	vshll.u32 v0, $0x4  }
0x2d: {  	(v2sf) =	vpush v2, $0x1  }
0x2e: {  	(v2sf) =	vpush v2, $0x2  }
0x2f: {  	(v2sf) =	vpush v2, $0x0;
	_ =	sdelay $0x1  }
0x30: {  	s0 =	smul.u32 $0x38000, s0;
	(v2sf) =	vpush v2, $0x3  }
0x31: {  	s1 =	smul.u32 $0x38000, s1  }
0x32: {  	[smem:$0x7F9] =	sst s7;
	(v2sf) =	vpush v2, $0x4  }
0x33: {  	[smem:$0x7FA] =	sst s6;
	s0 =	sshrl.u32 s0, $0x2;
	s1 =	sshrl.u32 s1, $0x2  }
0x34: {  	[smem:$0x7FB] =	sst s0;
	s1 =	sor.u32 $0x800, s1;
	(v2sf) =	vpush v2, $0x5  }
0x35: {  	[dreg:$0x3] =	wrdreg s1  }
0x36: {  	s16 =	simm.s32 $0x7000;
	s0 =	sor.u32 $0x800, s0;
	s1 =	rddreg [dreg:$0x3];
	(v2sf) =	vpush v2, $0x6  }
0x37: {  	[smem:$0x7FC] =	sst s0;
	s23 =	sadd.s32 $0x80, s4;
	s18 =	sadd.s32 $0x0, s1  }
0x38: {  	v1 =	vld [tilespmem:s4+$0x2];
	s13 =	sadd.s32 $0x1200, s18;
	s9 =	sadd.s32 $0x1680, s18;
	s8 =	sadd.s32 $0x1700, s18;
	(v2sf) =	vpush v2, $0x7  }
0x39: {  	v3 =	vld [tilespmem:s4+$0xFFFFFFF0];
	s12 =	sadd.s32 $0x1500, s18;
	s20 =	sadd.s32 $0x1580, s18;
	s10 =	sadd.s32 $0x1600, s18  }
0x3a: {  	v0 =	vld [tilespmem:s4+$0x0];
	s14 =	sadd.s32 $0x1380, s18;
	s6 =	sadd.s32 $0x480, s18;
	s4 =	sadd.s32 $0x300, s18  }
0x3b: {  	s21 =	sadd.s32 $0x80, s18;
	s22 =	sadd.s32 $0x100, s18;
	s17 =	spop (v2sf)  }
0x3c: {  	s25 =	sadd.s32 $0x180, s18;
	s30 =	sadd.s32 $0x200, s18;
	s19 =	spop (v2sf);
	(v2sf) =	vpush v2, $0x8  }
0x3d: {  	s7 =	sadd.s32 $0x280, s18;
	s15 =	sadd.s32 $0x380, s18;
	s5 =	spop (v2sf)  }
0x3e: {  	s0 =	sand.u32 $0x1FFFFFF0, s17;
	(v2sf) =	vpush v2, $0x9;
	s1 =	sand.u32 $0x1FFFFFF0, s19;
	s5 =	sand.u32 $0x1FFFFFF0, s5  }
0x3f: {  	s0 =	sadd.s32 s3, s0;
	(v2sf) =	vpush v2, $0xA;
	s24 =	spop (v2sf);
	s5 =	sadd.s32 s3, s5  }
0x40: {  	[tilespmem:s18], [sflag:$0x1] =	stream.linear.gather [hbm4b:s5+s2], $0x80, $0x38;
	[tilespmem:$0x1C800] =	vst v63  }
0x41: {  	s1 =	sadd.s32 s3, s1;
	(v2sf) =	vpush v2, $0xB;
	s26 =	sand.u32 $0x1FFFFFF0, s24;
	s28 =	spop (v2sf)  }
0x42: {  	(v2sf) =	vpush v2, $0xC;
	[tilespmem:s21], [sflag:$0x1] =	stream.linear.gather [hbm4b:s0+s2], $0x80, $0x38;
	[tilespmem:$0x1C800] =	vst v63  }
0x43: {  	s5 =	sand.u32 $0x1FFFFFF0, s28;
	s29 =	spop (v2sf);
	s28 =	sadd.s32 $0x500, s18  }
0x44: {  	v3 =	vshll.u32 v3, $0x4;
	[tilespmem:s22], [sflag:$0x1] =	stream.linear.gather [hbm4b:s1+s2], $0x80, $0x38;
	[tilespmem:$0x1C800] =	vst v63  }
0x45: {  	(v2sf) =	vpush v3, $0x0;
	s31 =	sand.u32 $0x1FFFFFF0, s29;
	s11 =	spop (v2sf);
	s1 =	sadd.s32 s3, s26  }
0x46: {  	[tilespmem:s25], [sflag:$0x1] =	stream.linear.gather [hbm4b:s1+s2], $0x80, $0x38;
	[tilespmem:$0x1C800] =	vst v63  }
0x47: {  	s5 =	sadd.s32 s3, s5;
	(v2sf) =	vpush v2, $0xD;
	s17 =	sand.u32 $0x1FFFFFF0, s11;
	s19 =	spop (v2sf)  }
0x48: {  	(v2sf) =	vpush v3, $0x1;
	[tilespmem:s30], [sflag:$0x1] =	stream.linear.gather [hbm4b:s5+s2], $0x80, $0x38;
	[tilespmem:$0x1C800] =	vst v63  }
0x49: {  	s1 =	sadd.s32 s3, s31;
	s25 =	sadd.s32 $0x400, s18;
	s5 =	sand.u32 $0x1FFFFFF0, s19  }
0x4a: {  	(v2sf) =	vpush v2, $0xE;
	[tilespmem:s7], [sflag:$0x1] =	stream.linear.gather [hbm4b:s1+s2], $0x80, $0x38;
	[tilespmem:$0x1C800] =	vst v63  }
0x4b: {  	s5 =	sadd.s32 s3, s5;
	s1 =	sadd.s32 s3, s17;
	s21 =	spop (v2sf)  }
0x4c: {  	[tilespmem:s4], [sflag:$0x1] =	stream.linear.gather [hbm4b:s1+s2], $0x80, $0x38;
	[tilespmem:$0x1C800] =	vst v63  }
0x4d: {  	s17 =	sadd.s32 $0x580, s18;
	s7 =	sadd.s32 $0x1480, s18;
	s24 =	spop (v2sf)  }
0x4e: {  	s22 =	sand.u32 $0x1FFFFFF0, s21;
	s21 =	sadd.s32 $0x600, s18;
	s26 =	spop (v2sf)  }
0x4f: {  	[tilespmem:s15], [sflag:$0x1] =	stream.linear.gather [hbm4b:s5+s2], $0x80, $0x38;
	[tilespmem:$0x1C800] =	vst v63  }
0x50: {  	(v2sf) =	vpush v2, $0xF;
	s1 =	sadd.s32 s3, s22;
	s29 =	sand.u32 $0x1FFFFFF0, s24;
	s30 =	spop (v2sf)  }
0x51: {  	s5 =	sand.u32 $0x1FFFFFF0, s26;
	s26 =	sadd.s32 $0x680, s18;
	s31 =	spop (v2sf)  }
0x52: {  	s11 =	sand.u32 $0x1FFFFFF0, s30;
	s5 =	sadd.s32 s3, s5;
	s30 =	sadd.s32 $0x700, s18  }
0x53: {  	(v2sf) =	vpush v3, $0x2;
	[tilespmem:s25], [sflag:$0x1] =	stream.linear.gather [hbm4b:s1+s2], $0x80, $0x38;
	[tilespmem:$0x1C800] =	vst v63  }
0x54: {  	s1 =	sadd.s32 s3, s29;
	s15 =	spop (v2sf);
	s22 =	sand.u32 $0x1FFFFFF0, s31  }
0x55: {  	(v2sf) =	vpush v3, $0x3;
	[tilespmem:s6], [sflag:$0x1] =	stream.linear.gather [hbm4b:s1+s2], $0x80, $0x38;
	[tilespmem:$0x1C800] =	vst v63  }
0x56: {  	s19 =	spop (v2sf);
	s4 =	sand.u32 $0x1FFFFFF0, s15;
	s1 =	sadd.s32 s3, s11  }
0x57: {  	(v2sf) =	vpush v3, $0x4;
	s24 =	spop (v2sf);
	s11 =	sadd.s32 $0x800, s18;
	s4 =	sadd.s32 s3, s4  }
0x58: {  	(v2sf) =	vpush v3, $0x5;
	[tilespmem:s28], [sflag:$0x1] =	stream.linear.gather [hbm4b:s5+s2], $0x80, $0x38;
	[tilespmem:$0x1C800] =	vst v63  }
0x59: {  	s25 =	spop (v2sf);
	s15 =	sand.u32 $0x1FFFFFF0, s24;
	s5 =	sand.u32 $0x1FFFFFF0, s19  }
0x5a: {  	(v2sf) =	vpush v3, $0x6;
	[tilespmem:s17], [sflag:$0x1] =	stream.linear.gather [hbm4b:s1+s2], $0x80, $0x38;
	[tilespmem:$0x1C800] =	vst v63  }
0x5b: {  	s29 =	sand.u32 $0x1FFFFFF0, s25;
	s28 =	sadd.s32 s3, s5;
	s1 =	sadd.s32 s3, s22  }
0x5c: {  	(v2sf) =	vpush v3, $0x7;
	[tilespmem:s21], [sflag:$0x1] =	stream.linear.gather [hbm4b:s1+s2], $0x80, $0x38;
	[tilespmem:$0x1C800] =	vst v63  }
0x5d: {  	s5 =	sadd.s32 s3, s29;
	s17 =	sadd.s32 $0x880, s18;
	s22 =	sadd.s32 $0x900, s18  }
0x5e: {  	(v2sf) =	vpush v3, $0x8;
	[tilespmem:s26], [sflag:$0x1] =	stream.linear.gather [hbm4b:s28+s2], $0x80, $0x38;
	[tilespmem:$0x1C800] =	vst v63  }
0x5f: {  	s21 =	sadd.s32 $0x1400, s18;
	s28 =	sadd.s32 $0x980, s18;
	s31 =	spop (v2sf)  }
0x60: {  	[tilespmem:s30], [sflag:$0x1] =	stream.linear.gather [hbm4b:s5+s2], $0x80, $0x38;
	[tilespmem:$0x1C800] =	vst v63  }
0x61: {  	s1 =	sand.u32 $0x1FFFFFF0, s31;
	s5 =	sadd.s32 $0x780, s18;
	s30 =	sadd.s32 $0xA00, s18  }
0x62: {  	(v2sf) =	vpush v3, $0x9;
	s0 =	sadd.s32 s3, s1;
	s19 =	spop (v2sf);
	s1 =	sadd.s32 s3, s15  }
0x63: {  	(v2sf) =	vpush v3, $0xA;
	[tilespmem:s5], [sflag:$0x1] =	stream.linear.gather [hbm4b:s0+s2], $0x80, $0x38;
	[tilespmem:$0x1C800] =	vst v63  }
0x64: {  	s24 =	sand.u32 $0x1FFFFFF0, s19;
	s25 =	spop (v2sf);
	s5 =	sadd.s32 $0xA80, s18  }
0x65: {  	[tilespmem:s11], [sflag:$0x1] =	stream.linear.gather [hbm4b:s4+s2], $0x80, $0x38;
	[tilespmem:$0x1C800] =	vst v63  }
0x66: {  	s4 =	sand.u32 $0x1FFFFFF0, s25;
	s26 =	spop (v2sf);
	s25 =	sadd.s32 $0xC00, s18  }
0x67: {  	s29 =	sand.u32 $0x1FFFFFF0, s26;
	s4 =	sadd.s32 s3, s4;
	s31 =	spop (v2sf)  }
0x68: {  	[tilespmem:s17], [sflag:$0x1] =	stream.linear.gather [hbm4b:s1+s2], $0x80, $0x38;
	[tilespmem:$0x1C800] =	vst v63  }
0x69: {  	(v2sf) =	vpush v3, $0xB;
	s1 =	sadd.s32 s3, s24;
	s6 =	sand.u32 $0x1FFFFFF0, s31;
	s11 =	spop (v2sf)  }
0x6a: {  	(v2sf) =	vpush v3, $0xC;
	[tilespmem:s22], [sflag:$0x1] =	stream.linear.gather [hbm4b:s1+s2], $0x80, $0x38;
	[tilespmem:$0x1C800] =	vst v63  }
0x6b: {  	s17 =	sadd.s32 $0xB00, s18;
	s15 =	spop (v2sf);
	s1 =	sadd.s32 s3, s29  }
0x6c: {  	(v2sf) =	vpush v3, $0xD;
	[tilespmem:s28], [sflag:$0x1] =	stream.linear.gather [hbm4b:s4+s2], $0x80, $0x38;
	[tilespmem:$0x1C800] =	vst v63  }
0x6d: {  	(v2sf) =	vpush v3, $0xE;
	s19 =	sand.u32 $0x1FFFFFF0, s15;
	s22 =	sadd.s32 $0xB80, s18;
	s24 =	spop (v2sf)  }
0x6e: {  	[tilespmem:s30], [sflag:$0x1] =	stream.linear.gather [hbm4b:s1+s2], $0x80, $0x38;
	[tilespmem:$0x1C800] =	vst v63  }
0x6f: {  	(v2sf) =	vpush v3, $0xF;
	s26 =	sand.u32 $0x1FFFFFF0, s24;
	s4 =	sand.u32 $0x1FFFFFF0, s11;
	s1 =	sadd.s32 s3, s6  }
0x70: {  	v0 =	vshll.u32 v0, $0x4;
	[tilespmem:s5], [sflag:$0x1] =	stream.linear.gather [hbm4b:s1+s2], $0x80, $0x38;
	[tilespmem:$0x1C800] =	vst v63  }
0x71: {  	(v2sf) =	vpush v0, $0x0;
	s11 =	sadd.s32 $0xD80, s18;
	s4 =	sadd.s32 s3, s4;
	s28 =	spop (v2sf)  }
0x72: {  	s30 =	sadd.s32 $0xC80, s18;
	s1 =	sadd.s32 s3, s19;
	s29 =	spop (v2sf)  }
0x73: {  	[tilespmem:s17], [sflag:$0x1] =	stream.linear.gather [hbm4b:s4+s2], $0x80, $0x38;
	[tilespmem:$0x1C800] =	vst v63  }
0x74: {  	s5 =	sadd.s32 $0xD00, s18;
	s4 =	sand.u32 $0x1FFFFFF0, s28;
	s31 =	sand.u32 $0x1FFFFFF0, s29  }
0x75: {  	(v2sf) =	vpush v0, $0x1;
	[tilespmem:s22], [sflag:$0x1] =	stream.linear.gather [hbm4b:s1+s2], $0x80, $0x38;
	[tilespmem:$0x1C800] =	vst v63  }
0x76: {  	s28 =	sadd.s32 $0xF00, s18;
	s4 =	sadd.s32 s3, s4;
	s1 =	sadd.s32 s3, s26  }
0x77: {  	(v2sf) =	vpush v0, $0x2;
	[tilespmem:s25], [sflag:$0x1] =	stream.linear.gather [hbm4b:s1+s2], $0x80, $0x38;
	[tilespmem:$0x1C800] =	vst v63  }
0x78: {  	s22 =	sadd.s32 $0xE00, s18;
	s6 =	spop (v2sf);
	s1 =	sadd.s32 s3, s31  }
0x79: {  	(v2sf) =	vpush v0, $0x3;
	s15 =	sand.u32 $0x1FFFFFF0, s6;
	s17 =	spop (v2sf);
	s25 =	sadd.s32 $0xE80, s18  }
0x7a: {  	[tilespmem:s30], [sflag:$0x1] =	stream.linear.gather [hbm4b:s4+s2], $0x80, $0x38;
	[tilespmem:$0x1C800] =	vst v63  }
0x7b: {  	s6 =	sadd.s32 $0xF80, s18;
	s19 =	spop (v2sf);
	s4 =	sand.u32 $0x1FFFFFF0, s17  }
0x7c: {  	s24 =	sand.u32 $0x1FFFFFF0, s19;
	s26 =	spop (v2sf);
	s19 =	sadd.s32 $0x1080, s18  }
0x7d: {  	(v2sf) =	vpush v0, $0x4;
	[tilespmem:s5], [sflag:$0x1] =	stream.linear.gather [hbm4b:s1+s2], $0x80, $0x38;
	[tilespmem:$0x1C800] =	vst v63  }
0x7e: {  	s4 =	sadd.s32 s3, s4;
	s30 =	spop (v2sf);
	s1 =	sadd.s32 s3, s15  }
0x7f: {  	(v2sf) =	vpush v0, $0x5;
	[tilespmem:s11], [sflag:$0x1] =	stream.linear.gather [hbm4b:s1+s2], $0x80, $0x38;
	[tilespmem:$0x1C800] =	vst v63  }
0x80: {  	s29 =	sand.u32 $0x1FFFFFF0, s26;
	s26 =	sadd.s32 $0x1100, s18;
	s31 =	spop (v2sf)  }
0x81: {  	(v2sf) =	vpush v0, $0x6;
	[tilespmem:s22], [sflag:$0x1] =	stream.linear.gather [hbm4b:s4+s2], $0x80, $0x38;
	[tilespmem:$0x1C800] =	vst v63  }
0x82: {  	s15 =	sadd.s32 $0x1000, s18;
	s1 =	sadd.s32 s3, s24;
	s11 =	sand.u32 $0x1FFFFFF0, s31  }
0x83: {  	[tilespmem:s25], [sflag:$0x1] =	stream.linear.gather [hbm4b:s1+s2], $0x80, $0x38;
	[tilespmem:$0x1C800] =	vst v63  }
0x84: {  	s4 =	sand.u32 $0x1FFFFFF0, s30;
	s17 =	spop (v2sf);
	s1 =	sadd.s32 s3, s29  }
0x85: {  	[tilespmem:s28], [sflag:$0x1] =	stream.linear.gather [hbm4b:s1+s2], $0x80, $0x38;
	[tilespmem:$0x1C800] =	vst v63  }
0x86: {  	s30 =	sadd.s32 $0x1180, s18;
	s4 =	sadd.s32 s3, s4;
	s24 =	spop (v2sf)  }
0x87: {  	[tilespmem:s6], [sflag:$0x1] =	stream.linear.gather [hbm4b:s4+s2], $0x80, $0x38;
	[tilespmem:$0x1C800] =	vst v63  }
0x88: {  	s22 =	sand.u32 $0x1FFFFFF0, s17;
	s1 =	sadd.s32 s3, s11;
	s25 =	spop (v2sf)  }
0x89: {  	(v2sf) =	vpush v0, $0x7;
	[tilespmem:s15], [sflag:$0x1] =	stream.linear.gather [hbm4b:s1+s2], $0x80, $0x38;
	[tilespmem:$0x1C800] =	vst v63  }
0x8a: {  	(v2sf) =	vpush v0, $0x8;
	s4 =	sand.u32 $0x1FFFFFF0, s24;
	s28 =	sand.u32 $0x1FFFFFF0, s25;
	s1 =	sadd.s32 s3, s22  }
0x8b: {  	(v2sf) =	vpush v0, $0x9;
	[tilespmem:s19], [sflag:$0x1] =	stream.linear.gather [hbm4b:s1+s2], $0x80, $0x38;
	[tilespmem:$0x1C800] =	vst v63  }
0x8c: {  	(v2sf) =	vpush v0, $0xA;
	s4 =	sadd.s32 s3, s4;
	s29 =	spop (v2sf);
	s22 =	sadd.s32 $0x1300, s18  }
0x8d: {  	(v2sf) =	vpush v0, $0xB;
	[tilespmem:s26], [sflag:$0x1] =	stream.linear.gather [hbm4b:s4+s2], $0x80, $0x38;
	[tilespmem:$0x1C800] =	vst v63  }
0x8e: {  	(v2sf) =	vpush v0, $0xC;
	s0 =	sand.u32 $0x1FFFFFF0, s29;
	s31 =	spop (v2sf);
	s1 =	sadd.s32 s3, s28  }
0x8f: {  	(v2sf) =	vpush v0, $0xD;
	[tilespmem:s30], [sflag:$0x1] =	stream.linear.gather [hbm4b:s1+s2], $0x80, $0x38;
	[tilespmem:$0x1C800] =	vst v63  }
0x90: {  	v1 =	vshll.u32 v1, $0x4;
	(v2sf) =	vpush v0, $0xE;
	s4 =	spop (v2sf);
	s1 =	sadd.s32 s3, s0;
	s0 =	sand.u32 $0x1FFFFFF0, s31  }
.LBB2_8:
0x91: {  	_ =	sdelay $0x1  }
0x92: {  	[tilespmem:s13], [sflag:$0x1] =	stream.linear.gather [hbm4b:s1+s2], $0x80, $0x38;
	[tilespmem:$0x1C800] =	vst v63  }
0x93: {  	s5 =	sadd.s32 $0x1280, s18;
	s4 =	sand.u32 $0x1FFFFFF0, s4;
	s0 =	sadd.s32 s3, s0  }
0x94: {  	[tilespmem:s5], [sflag:$0x1] =	stream.linear.gather [hbm4b:s0+s2], $0x80, $0x38;
	[tilespmem:$0x1C800] =	vst v63  }
0x95: {  	s19 =	sadd.s32 s3, s4  }
0x96: {  	[tilespmem:s22], [sflag:$0x1] =	stream.linear.gather [hbm4b:s19+s2], $0x80, $0x38;
	[tilespmem:$0x1C800] =	vst v63  }
0x97: {  	s6 =	spop (v2sf)  }
0x98: {  	(v2sf) =	vpush v0, $0xF;
	s17 =	spop (v2sf)  }
0x99: {  	s15 =	sand.u32 $0x1FFFFFF0, s6;
	s24 =	sand.u32 $0x1FFFFFF0, s17;
	s25 =	spop (v2sf)  }
0x9a: {  	s26 =	sadd.s32 s3, s15;
	s28 =	sand.u32 $0x1FFFFFF0, s25;
	s29 =	spop (v2sf)  }
0x9b: {  	(v2sf) =	vpush v1, $0xE;
	[tilespmem:s14], [sflag:$0x1] =	stream.linear.gather [hbm4b:s26+s2], $0x80, $0x38;
	[tilespmem:$0x1C800] =	vst v63  }
0x9c: {  	s30 =	sadd.s32 s3, s24;
	s31 =	sand.u32 $0x1FFFFFF0, s29;
	s6 =	spop (v2sf)  }
0x9d: {  	(v2sf) =	vpush v1, $0xF;
	[tilespmem:s21], [sflag:$0x1] =	stream.linear.gather [hbm4b:s30+s2], $0x80, $0x38;
	[tilespmem:$0x1C800] =	vst v63  }
0x9e: {  	s11 =	sadd.s32 s3, s28;
	s13 =	sand.u32 $0x1FFFFFF0, s6;
	s14 =	spop (v2sf)  }
0x9f: {  	s15 =	sadd.s32 s3, s31;
	s17 =	sand.u32 $0x1FFFFFF0, s14;
	s19 =	spop (v2sf)  }
0xa0: {  	[tilespmem:s7], [sflag:$0x1] =	stream.linear.gather [hbm4b:s11+s2], $0x80, $0x38;
	[tilespmem:$0x1C800] =	vst v63  }
0xa1: {  	s21 =	sadd.s32 s3, s13;
	s13 =	sadd.s32 $0x1880, s18;
	s24 =	spop (v2sf)  }
0xa2: {  	[tilespmem:s12], [sflag:$0x1] =	stream.linear.gather [hbm4b:s15+s2], $0x80, $0x38;
	[tilespmem:$0x1C800] =	vst v63  }
0xa3: {  	s22 =	sand.u32 $0x1FFFFFF0, s19;
	s25 =	sadd.s32 s3, s17;
	s26 =	sand.u32 $0x1FFFFFF0, s24  }
0xa4: {  	[tilespmem:s20], [sflag:$0x1] =	stream.linear.gather [hbm4b:s21+s2], $0x80, $0x38;
	[tilespmem:$0x1C800] =	vst v63  }
0xa5: {  	s11 =	sadd.s32 $0x1800, s18;
	s29 =	sadd.s32 s3, s22;
	s4 =	sadd.s32 s3, s26  }
0xa6: {  	[tilespmem:s10], [sflag:$0x1] =	stream.linear.gather [hbm4b:s25+s2], $0x80, $0x38;
	[tilespmem:$0x1C800] =	vst v63  }
0xa7: {  	s12 =	sshra.s32 s16, $0x2;
	s10 =	rddreg [dreg:$0x3];
	s28 =	spop (v2sf)  }
0xa8: {  	[tilespmem:s9], [sflag:$0x1] =	stream.linear.gather [hbm4b:s29+s2], $0x80, $0x38;
	[tilespmem:$0x1C800] =	vst v63  }
0xa9: {  	s9 =	sadd.s32 $0x1780, s18;
	s18 =	sadd.s32 s12, s10;
	s30 =	sand.u32 $0x1FFFFFF0, s28  }
0xaa: {  	s31 =	spop (v2sf);
	s0 =	sadd.s32 $0x1680, s18;
	s14 =	sadd.s32 $0x1700, s18  }
0xab: {  	[tilespmem:s8], [sflag:$0x1] =	stream.linear.gather [hbm4b:s4+s2], $0x80, $0x38;
	[tilespmem:$0x1C800] =	vst v63  }
0xac: {  	s6 =	sand.u32 $0x1FFFFFF0, s31;
	s7 =	spop (v2sf);
	s1 =	sadd.s32 s3, s30  }
0xad: {  	[tilespmem:s9], [sflag:$0x1] =	stream.linear.gather [hbm4b:s1+s2], $0x80, $0x38;
	[tilespmem:$0x1C800] =	vst v63  }
0xae: {  	[dreg:$0x14] =	wrdreg s0;
	s5 =	sand.u32 $0x1FFFFFF0, s7;
	s4 =	sadd.s32 s3, s6  }
0xaf: {  	[tilespmem:s11], [sflag:$0x1] =	stream.linear.gather [hbm4b:s4+s2], $0x80, $0x38;
	[tilespmem:$0x1C800] =	vst v63  }
0xb0: {  	s15 =	sadd.s32 $0x1600, s18;
	[dreg:$0xf] =	wrdreg s14;
	s5 =	sadd.s32 s3, s5  }
0xb1: {  	[tilespmem:s13], [sflag:$0x1] =	stream.linear.gather [hbm4b:s5+s2], $0x80, $0x38;
	[tilespmem:$0x1C800] =	vst v63  }
0xb2: {  	s17 =	sadd.s32 $0x1480, s18;
	[dreg:$0x18] =	wrdreg s15;
	v0 =	vld [tilespmem:s23+$0xFFFFFFE0]  }
0xb3: {  	s22 =	sadd.s32 $0x1080, s18;
	[dreg:$0x10] =	wrdreg s17  }
0xb4: {  	p1 =	sne.s32 s16, $0x31000;
	s24 =	sadd.s32 $0x1100, s18;
	[dreg:$0x5] =	wrdreg s22  }
0xb5: {  	s16 =	sadd.s32 $0x7000, s16;
	s25 =	sadd.s32 $0xF00, s18;
	[dreg:$0x4] =	wrdreg s24  }
0xb6: {  	s19 =	sadd.s32 $0x1500, s18;
	s26 =	sadd.s32 $0xF80, s18;
	[dreg:$0x8] =	wrdreg s25  }
0xb7: {  	s20 =	sadd.s32 $0x1580, s18;
	s28 =	sadd.s32 $0x1000, s18;
	[dreg:$0x7] =	wrdreg s26;
	v3 =	vshll.u32 v0, $0x4  }
0xb8: {  	s21 =	sadd.s32 $0x1400, s18;
	s29 =	sadd.s32 $0xD80, s18;
	[dreg:$0x6] =	wrdreg s28;
	(v2sf) =	vpush v3, $0x1  }
0xb9: {  	s10 =	sadd.s32 $0x900, s18;
	s12 =	sadd.s32 $0xA00, s18;
	[dreg:$0xb] =	wrdreg s29;
	(v2sf) =	vpush v3, $0x2  }
0xba: {  	s14 =	sadd.s32 $0x1380, s18;
	s22 =	sadd.s32 $0x1300, s18;
	[dreg:$0x17] =	wrdreg s10;
	(v2sf) =	vpush v3, $0x0  }
0xbb: {  	s30 =	sadd.s32 $0xE00, s18;
	s31 =	sadd.s32 $0xE80, s18;
	[dreg:$0x15] =	wrdreg s12;
	(v2sf) =	vpush v3, $0x3  }
0xbc: {  	s8 =	sadd.s32 $0xB00, s18;
	s24 =	sadd.s32 $0x780, s18;
	[dreg:$0xa] =	wrdreg s30;
	(v2sf) =	vpush v3, $0x4  }
0xbd: {  	s15 =	sadd.s32 $0x880, s18;
	s26 =	sadd.s32 $0x600, s18;
	[dreg:$0x9] =	wrdreg s31  }
0xbe: {  	s25 =	sadd.s32 $0x700, s18;
	s29 =	sadd.s32 $0x480, s18;
	[dreg:$0x12] =	wrdreg s8;
	(v2sf) =	vpush v3, $0x5  }
0xbf: {  	s28 =	sadd.s32 $0x500, s18;
	s6 =	sadd.s32 $0xD00, s18;
	[dreg:$0x19] =	wrdreg s15  }
0xc0: {  	s12 =	sadd.s32 $0x100, s18;
	s7 =	sadd.s32 $0xA80, s18;
	[dreg:$0xc] =	wrdreg s6;
	(v2sf) =	vpush v3, $0x6  }
0xc1: {  	s0 =	smov.u32 s16;
	s1 =	sadd.s32 $0xC00, s18;
	[dreg:$0x13] =	wrdreg s7  }
0xc2: {  	s8 =	sadd.s32 $0x380, s18;
	s9 =	sadd.s32 $0xB80, s18;
	[dreg:$0xe] =	wrdreg s1;
	(v2sf) =	vpush v3, $0x7  }
0xc3: {  	s6 =	sadd.s32 $0x400, s18;
	[dreg:$0x11] =	wrdreg s9;
	s4 =	sadd.s32 $0xC80, s18;
	(v2sf) =	vpush v3, $0x8  }
0xc4: {  	s7 =	sadd.s32 $0x280, s18;
	s11 =	sadd.s32 $0x980, s18;
	[dreg:$0xd] =	wrdreg s4  }
0xc5: {  	s1 =	sadd.s32 $0x580, s18;
	s9 =	sadd.s32 $0x300, s18;
	[dreg:$0x16] =	wrdreg s11;
	v1 =	vld [tilespmem:s23+$0x2];
	(v2sf) =	vpush v3, $0x9  }
0xc6: {  	s4 =	sadd.s32 $0x680, s18;
	s11 =	sadd.s32 $0x180, s18;
	s5 =	sadd.s32 $0x1200, s18;
	v2 =	vld [tilespmem:s23+$0x0]  }
0xc7: {  	s13 =	sadd.s32 $0x800, s18;
	v4 =	vld [tilespmem:s23+$0xFFFFFFF0];
	s23 =	sadd.s32 $0x80, s23;
	s30 =	spop (v2sf)  }
0xc8: {  	[dreg:$0x1a] =	wrdreg s13;
	s13 =	sadd.s32 $0x200, s18;
	s31 =	spop (v2sf)  }
0xc9: {  	s30 =	sand.u32 $0x1FFFFFF0, s30;
	(v2sf) =	vpush v3, $0xA;
	s31 =	sand.u32 $0x1FFFFFF0, s31;
	s17 =	spop (v2sf)  }
0xca: {  	s10 =	sand.u32 $0x1FFFFFF0, s17;
	s17 =	sadd.s32 $0x80, s18;
	s15 =	spop (v2sf)  }
0xcb: {  	(v2sf) =	vpush v3, $0xB;
	s10 =	sadd.s32 s3, s10;
	s15 =	sand.u32 $0x1FFFFFF0, s15;
	s16 =	spop (v2sf)  }
0xcc: {  	[tilespmem:s18], [sflag:$0x1] =	stream.linear.gather [hbm4b:s10+s2], $0x80, $0x38;
	[tilespmem:$0x1C800] =	vst v63  }
0xcd: {  	v0 =	vshll.u32 v2, $0x4;
	v2 =	vshll.u32 v4, $0x4;
	(v2sf) =	vpush v3, $0xC;
	s10 =	sadd.s32 s3, s30;
	s16 =	sand.u32 $0x1FFFFFF0, s16;
	s30 =	spop (v2sf)  }
0xce: {  	(v2sf) =	vpush v2, $0x0;
	[tilespmem:s17], [sflag:$0x1] =	stream.linear.gather [hbm4b:s10+s2], $0x80, $0x38;
	[tilespmem:$0x1C800] =	vst v63  }
0xcf: {  	s15 =	sadd.s32 s3, s15;
	s10 =	sadd.s32 s3, s31;
	s31 =	spop (v2sf)  }
0xd0: {  	(v2sf) =	vpush v3, $0xD;
	[tilespmem:s12], [sflag:$0x1] =	stream.linear.gather [hbm4b:s10+s2], $0x80, $0x38;
	[tilespmem:$0x1C800] =	vst v63  }
0xd1: {  	s17 =	sand.u32 $0x1FFFFFF0, s30;
	s30 =	spop (v2sf);
	s12 =	sand.u32 $0x1FFFFFF0, s31  }
0xd2: {  	(v2sf) =	vpush v2, $0x1;
	s31 =	sadd.s32 s3, s16;
	s16 =	smov.u32 s0;
	s0 =	spop (v2sf)  }
0xd3: {  	[tilespmem:s11], [sflag:$0x1] =	stream.linear.gather [hbm4b:s15+s2], $0x80, $0x38;
	[tilespmem:$0x1C800] =	vst v63  }
0xd4: {  	s17 =	sadd.s32 s3, s17;
	s11 =	sand.u32 $0x1FFFFFF0, s30;
	s30 =	spop (v2sf)  }
0xd5: {  	(v2sf) =	vpush v3, $0xE;
	[tilespmem:s13], [sflag:$0x1] =	stream.linear.gather [hbm4b:s31+s2], $0x80, $0x38;
	[tilespmem:$0x1C800] =	vst v63  }
0xd6: {  	s10 =	sand.u32 $0x1FFFFFF0, s30;
	s15 =	sadd.s32 s3, s11;
	s13 =	sand.u32 $0x1FFFFFF0, s0  }
0xd7: {  	(v2sf) =	vpush v3, $0xF;
	[tilespmem:s7], [sflag:$0x1] =	stream.linear.gather [hbm4b:s17+s2], $0x80, $0x38;
	[tilespmem:$0x1C800] =	vst v63  }
0xd8: {  	s31 =	sadd.s32 s3, s12;
	s12 =	smov.u32 s19;
	s0 =	spop (v2sf)  }
0xd9: {  	[tilespmem:s9], [sflag:$0x1] =	stream.linear.gather [hbm4b:s31+s2], $0x80, $0x38;
	[tilespmem:$0x1C800] =	vst v63  }
0xda: {  	s10 =	sadd.s32 s3, s10;
	s17 =	sand.u32 $0x1FFFFFF0, s0;
	s30 =	spop (v2sf)  }
0xdb: {  	(v2sf) =	vpush v2, $0x2;
	[tilespmem:s8], [sflag:$0x1] =	stream.linear.gather [hbm4b:s15+s2], $0x80, $0x38;
	[tilespmem:$0x1C800] =	vst v63  }
0xdc: {  	s31 =	sadd.s32 s3, s13;
	s13 =	smov.u32 s5;
	s5 =	spop (v2sf)  }
0xdd: {  	(v2sf) =	vpush v2, $0x3;
	s17 =	sadd.s32 s3, s17;
	s0 =	sand.u32 $0x1FFFFFF0, s30;
	s15 =	spop (v2sf)  }
0xde: {  	(v2sf) =	vpush v2, $0x4;
	[tilespmem:s6], [sflag:$0x1] =	stream.linear.gather [hbm4b:s31+s2], $0x80, $0x38;
	[tilespmem:$0x1C800] =	vst v63  }
0xdf: {  	s11 =	sand.u32 $0x1FFFFFF0, s5;
	s9 =	sand.u32 $0x1FFFFFF0, s15;
	s19 =	spop (v2sf)  }
0xe0: {  	[tilespmem:s29], [sflag:$0x1] =	stream.linear.gather [hbm4b:s10+s2], $0x80, $0x38;
	[tilespmem:$0x1C800] =	vst v63  }
0xe1: {  	(v2sf) =	vpush v2, $0x5;
	s29 =	sadd.s32 s3, s0;
	s30 =	sand.u32 $0x1FFFFFF0, s19;
	s31 =	spop (v2sf)  }
0xe2: {  	s0 =	sadd.s32 s3, s11;
	s10 =	rddreg [dreg:$0x18];
	s6 =	sand.u32 $0x1FFFFFF0, s31  }
0xe3: {  	(v2sf) =	vpush v2, $0x6;
	[tilespmem:s28], [sflag:$0x1] =	stream.linear.gather [hbm4b:s17+s2], $0x80, $0x38;
	[tilespmem:$0x1C800] =	vst v63  }
0xe4: {  	s5 =	spop (v2sf);
	s8 =	sadd.s32 s3, s30;
	s30 =	sadd.s32 s3, s9  }
0xe5: {  	(v2sf) =	vpush v2, $0x7;
	[tilespmem:s1], [sflag:$0x1] =	stream.linear.gather [hbm4b:s29+s2], $0x80, $0x38;
	[tilespmem:$0x1C800] =	vst v63  }
0xe6: {  	(v2sf) =	vpush v2, $0x8;
	s9 =	rddreg [dreg:$0x14];
	s7 =	sand.u32 $0x1FFFFFF0, s5;
	s11 =	spop (v2sf)  }
0xe7: {  	[tilespmem:s26], [sflag:$0x1] =	stream.linear.gather [hbm4b:s0+s2], $0x80, $0x38;
	[tilespmem:$0x1C800] =	vst v63  }
0xe8: {  	s5 =	rddreg [dreg:$0x1a];
	s15 =	sadd.s32 s3, s7;
	s17 =	sand.u32 $0x1FFFFFF0, s11  }
0xe9: {  	(v2sf) =	vpush v2, $0x9;
	[tilespmem:s4], [sflag:$0x1] =	stream.linear.gather [hbm4b:s8+s2], $0x80, $0x38;
	[tilespmem:$0x1C800] =	vst v63  }
0xea: {  	s11 =	sadd.s32 s3, s6;
	s26 =	sadd.s32 s3, s17;
	s19 =	spop (v2sf)  }
0xeb: {  	[tilespmem:s25], [sflag:$0x1] =	stream.linear.gather [hbm4b:s15+s2], $0x80, $0x38;
	[tilespmem:$0x1C800] =	vst v63  }
0xec: {  	s8 =	rddreg [dreg:$0xf];
	s28 =	sand.u32 $0x1FFFFFF0, s19;
	s29 =	spop (v2sf)  }
0xed: {  	(v2sf) =	vpush v2, $0xA;
	s19 =	rddreg [dreg:$0x19];
	s7 =	sand.u32 $0x1FFFFFF0, s29;
	s31 =	spop (v2sf)  }
0xee: {  	[tilespmem:s24], [sflag:$0x1] =	stream.linear.gather [hbm4b:s26+s2], $0x80, $0x38;
	[tilespmem:$0x1C800] =	vst v63  }
0xef: {  	(v2sf) =	vpush v2, $0xB;
	s15 =	sand.u32 $0x1FFFFFF0, s31;
	s24 =	sadd.s32 s3, s28;
	s28 =	rddreg [dreg:$0x17]  }
0xf0: {  	s17 =	spop (v2sf);
	s29 =	sadd.s32 s3, s7;
	s7 =	rddreg [dreg:$0x10]  }
0xf1: {  	(v2sf) =	vpush v2, $0xC;
	[tilespmem:s5], [sflag:$0x1] =	stream.linear.gather [hbm4b:s30+s2], $0x80, $0x38;
	[tilespmem:$0x1C800] =	vst v63  }
0xf2: {  	s25 =	sand.u32 $0x1FFFFFF0, s17;
	s26 =	spop (v2sf);
	s5 =	rddreg [dreg:$0x16]  }
0xf3: {  	(v2sf) =	vpush v2, $0xD;
	[tilespmem:s19], [sflag:$0x1] =	stream.linear.gather [hbm4b:s11+s2], $0x80, $0x38;
	[tilespmem:$0x1C800] =	vst v63  }
0xf4: {  	(v2sf) =	vpush v2, $0xE;
	s30 =	sand.u32 $0x1FFFFFF0, s26;
	s31 =	spop (v2sf);
	s11 =	sadd.s32 s3, s15  }
0xf5: {  	s15 =	sand.u32 $0x1FFFFFF0, s31;
	s17 =	spop (v2sf);
	s19 =	rddreg [dreg:$0x15]  }
0xf6: {  	(v2sf) =	vpush v2, $0xF;
	[tilespmem:s28], [sflag:$0x1] =	stream.linear.gather [hbm4b:s24+s2], $0x80, $0x38;
	[tilespmem:$0x1C800] =	vst v63  }
0xf7: {  	s31 =	rddreg [dreg:$0x12];
	s4 =	sadd.s32 s3, s15;
	s24 =	sadd.s32 s3, s25  }
0xf8: {  	(v2sf) =	vpush v0, $0x0;
	s25 =	sand.u32 $0x1FFFFFF0, s17;
	s26 =	spop (v2sf);
	s28 =	rddreg [dreg:$0x13]  }
0xf9: {  	[tilespmem:s5], [sflag:$0x1] =	stream.linear.gather [hbm4b:s29+s2], $0x80, $0x38;
	[tilespmem:$0x1C800] =	vst v63  }
0xfa: {  	(v2sf) =	vpush v0, $0x1;
	s17 =	rddreg [dreg:$0x11];
	s29 =	sadd.s32 s3, s30;
	s5 =	sand.u32 $0x1FFFFFF0, s26  }
0xfb: {  	[tilespmem:s19], [sflag:$0x1] =	stream.linear.gather [hbm4b:s11+s2], $0x80, $0x38;
	[tilespmem:$0x1C800] =	vst v63  }
0xfc: {  	s26 =	rddreg [dreg:$0xe];
	s19 =	sadd.s32 s3, s25;
	s30 =	spop (v2sf)  }
0xfd: {  	[tilespmem:s28], [sflag:$0x1] =	stream.linear.gather [hbm4b:s24+s2], $0x80, $0x38;
	[tilespmem:$0x1C800] =	vst v63  }
0xfe: {  	s11 =	sand.u32 $0x1FFFFFF0, s30;
	s28 =	sadd.s32 s3, s5;
	s15 =	spop (v2sf)  }
0xff: {  	[tilespmem:s31], [sflag:$0x1] =	stream.linear.gather [hbm4b:s29+s2], $0x80, $0x38;
	[tilespmem:$0x1C800] =	vst v63  }
0x100: {  	(v2sf) =	vpush v0, $0x2;
	s24 =	sand.u32 $0x1FFFFFF0, s15;
	s25 =	spop (v2sf);
	s31 =	rddreg [dreg:$0xd]  }
0x101: {  	[tilespmem:s17], [sflag:$0x1] =	stream.linear.gather [hbm4b:s4+s2], $0x80, $0x38;
	[tilespmem:$0x1C800] =	vst v63  }
0x102: {  	(v2sf) =	vpush v0, $0x3;
	s29 =	sand.u32 $0x1FFFFFF0, s25;
	s30 =	spop (v2sf);
	s4 =	sadd.s32 s3, s11  }
0x103: {  	s11 =	sand.u32 $0x1FFFFFF0, s30;
	s17 =	rddreg [dreg:$0xc];
	s15 =	spop (v2sf)  }
0x104: {  	[tilespmem:s26], [sflag:$0x1] =	stream.linear.gather [hbm4b:s19+s2], $0x80, $0x38;
	[tilespmem:$0x1C800] =	vst v63  }
0x105: {  	s19 =	sadd.s32 s3, s24;
	s24 =	sand.u32 $0x1FFFFFF0, s15;
	s25 =	spop (v2sf)  }
0x106: {  	(v2sf) =	vpush v0, $0x4;
	[tilespmem:s31], [sflag:$0x1] =	stream.linear.gather [hbm4b:s28+s2], $0x80, $0x38;
	[tilespmem:$0x1C800] =	vst v63  }
0x107: {  	s26 =	rddreg [dreg:$0xb];
	s30 =	spop (v2sf);
	s28 =	sadd.s32 s3, s29  }
0x108: {  	[tilespmem:s17], [sflag:$0x1] =	stream.linear.gather [hbm4b:s4+s2], $0x80, $0x38;
	[tilespmem:$0x1C800] =	vst v63  }
0x109: {  	(v2sf) =	vpush v0, $0x5;
	s29 =	sand.u32 $0x1FFFFFF0, s25;
	s31 =	rddreg [dreg:$0xa];
	s15 =	spop (v2sf)  }
0x10a: {  	[tilespmem:s26], [sflag:$0x1] =	stream.linear.gather [hbm4b:s19+s2], $0x80, $0x38;
	[tilespmem:$0x1C800] =	vst v63  }
0x10b: {  	(v2sf) =	vpush v0, $0x6;
	s4 =	sadd.s32 s3, s11;
	s11 =	sand.u32 $0x1FFFFFF0, s30;
	s17 =	rddreg [dreg:$0x9]  }
0x10c: {  	[tilespmem:s31], [sflag:$0x1] =	stream.linear.gather [hbm4b:s28+s2], $0x80, $0x38;
	[tilespmem:$0x1C800] =	vst v63  }
0x10d: {  	s19 =	sadd.s32 s3, s24;
	s24 =	sand.u32 $0x1FFFFFF0, s15;
	s26 =	rddreg [dreg:$0x8]  }
0x10e: {  	[tilespmem:s17], [sflag:$0x1] =	stream.linear.gather [hbm4b:s4+s2], $0x80, $0x38;
	[tilespmem:$0x1C800] =	vst v63  }
0x10f: {  	s25 =	spop (v2sf);
	s28 =	sadd.s32 s3, s29;
	s31 =	rddreg [dreg:$0x7]  }
0x110: {  	[tilespmem:s26], [sflag:$0x1] =	stream.linear.gather [hbm4b:s19+s2], $0x80, $0x38;
	[tilespmem:$0x1C800] =	vst v63  }
0x111: {  	s29 =	sand.u32 $0x1FFFFFF0, s25;
	s30 =	spop (v2sf);
	s17 =	rddreg [dreg:$0x6]  }
0x112: {  	[tilespmem:s31], [sflag:$0x1] =	stream.linear.gather [hbm4b:s28+s2], $0x80, $0x38;
	[tilespmem:$0x1C800] =	vst v63  }
0x113: {  	s4 =	sadd.s32 s3, s11;
	s5 =	sadd.s32 s3, s29;
	s29 =	rddreg [dreg:$0x4]  }
0x114: {  	(v2sf) =	vpush v0, $0x7;
	[tilespmem:s17], [sflag:$0x1] =	stream.linear.gather [hbm4b:s4+s2], $0x80, $0x38;
	[tilespmem:$0x1C800] =	vst v63  }
0x115: {  	(v2sf) =	vpush v0, $0x8;
	s24 =	sadd.s32 s3, s24;
	s15 =	spop (v2sf);
	s28 =	rddreg [dreg:$0x5]  }
0x116: {  	(v2sf) =	vpush v0, $0x9;
	[tilespmem:s28], [sflag:$0x1] =	stream.linear.gather [hbm4b:s24+s2], $0x80, $0x38;
	[tilespmem:$0x1C800] =	vst v63  }
.Ltmp4:
0x117: {  	(v2sf) =	vpush v0, $0xA;
	s11 =	sand.u32 $0x1FFFFFF0, s30;
	s25 =	sand.u32 $0x1FFFFFF0, s15;
	(pc) =	sbr.rel @p1 .LBB2_8-.Ltmp4, $4  }
0x118: {  	(v2sf) =	vpush v0, $0xB;
	s30 =	sadd.s32 $0x1180, s18;
	s26 =	spop (v2sf);
	s1 =	sadd.s32 s3, s25  }
0x119: {  	(v2sf) =	vpush v0, $0xC;
	[tilespmem:s29], [sflag:$0x1] =	stream.linear.gather [hbm4b:s5+s2], $0x80, $0x38;
	[tilespmem:$0x1C800] =	vst v63  }
0x11a: {  	s0 =	sand.u32 $0x1FFFFFF0, s26;
	(v2sf) =	vpush v0, $0xD;
	s31 =	sadd.s32 s3, s11;
	s4 =	spop (v2sf)  }
0x11b: {  	v1 =	vshll.u32 v1, $0x4;
	(v2sf) =	vpush v0, $0xE;
	[tilespmem:s30], [sflag:$0x1] =	stream.linear.gather [hbm4b:s31+s2], $0x80, $0x38;
	[tilespmem:$0x1C800] =	vst v63  }
0x11c: {  	_ =	sdelay $0x3  }
0x11d: {  	[tilespmem:s13], [sflag:$0x1] =	stream.linear.gather [hbm4b:s1+s2], $0x80, $0x38;
	[tilespmem:$0x1C800] =	vst v63  }
0x11e: {  	s5 =	sadd.s32 $0x1280, s18;
	s30 =	sand.u32 $0x1FFFFFF0, s4;
	s0 =	sadd.s32 s3, s0  }
0x11f: {  	[tilespmem:s5], [sflag:$0x1] =	stream.linear.gather [hbm4b:s0+s2], $0x80, $0x38;
	[tilespmem:$0x1C800] =	vst v63  }
0x120: {  	s1 =	sadd.s32 s3, s30;
	s6 =	spop (v2sf);
	(v2sf) =	vpush v0, $0xF  }
0x121: {  	[tilespmem:s22], [sflag:$0x1] =	stream.linear.gather [hbm4b:s1+s2], $0x80, $0x38;
	[tilespmem:$0x1C800] =	vst v63  }
0x122: {  	s31 =	spop (v2sf);
	(v2sf) =	vpush v1, $0xE;
	s11 =	sand.u32 $0x1FFFFFF0, s6  }
0x123: {  	s13 =	spop (v2sf);
	s15 =	sand.u32 $0x1FFFFFF0, s31;
	s0 =	sadd.s32 s3, s11  }
0x124: {  	[tilespmem:s14], [sflag:$0x1] =	stream.linear.gather [hbm4b:s0+s2], $0x80, $0x38;
	[tilespmem:$0x1C800] =	vst v63  }
0x125: {  	s16 =	spop (v2sf);
	(v2sf) =	vpush v1, $0xF;
	s17 =	sand.u32 $0x1FFFFFF0, s13;
	s1 =	sadd.s32 s3, s15  }
0x126: {  	[tilespmem:s21], [sflag:$0x1] =	stream.linear.gather [hbm4b:s1+s2], $0x80, $0x38;
	[tilespmem:$0x1C800] =	vst v63  }
0x127: {  	s19 =	spop (v2sf);
	s0 =	sadd.s32 s3, s17;
	s21 =	sand.u32 $0x1FFFFFF0, s16  }
0x128: {  	[tilespmem:s7], [sflag:$0x1] =	stream.linear.gather [hbm4b:s0+s2], $0x80, $0x38;
	[tilespmem:$0x1C800] =	vst v63  }
0x129: {  	s22 =	spop (v2sf);
	s23 =	sand.u32 $0x1FFFFFF0, s19;
	s1 =	sadd.s32 s3, s21  }
0x12a: {  	[tilespmem:s12], [sflag:$0x1] =	stream.linear.gather [hbm4b:s1+s2], $0x80, $0x38;
	[tilespmem:$0x1C800] =	vst v63  }
0x12b: {  	s24 =	spop (v2sf);
	s25 =	sand.u32 $0x1FFFFFF0, s22;
	s0 =	sadd.s32 s3, s23  }
0x12c: {  	[tilespmem:s20], [sflag:$0x1] =	stream.linear.gather [hbm4b:s0+s2], $0x80, $0x38;
	[tilespmem:$0x1C800] =	vst v63  }
0x12d: {  	s26 =	spop (v2sf);
	s28 =	sand.u32 $0x1FFFFFF0, s24;
	s1 =	sadd.s32 s3, s25  }
0x12e: {  	[tilespmem:s10], [sflag:$0x1] =	stream.linear.gather [hbm4b:s1+s2], $0x80, $0x38;
	[tilespmem:$0x1C800] =	vst v63  }
0x12f: {  	s0 =	sadd.s32 s3, s28;
	s29 =	spop (v2sf)  }
0x130: {  	[tilespmem:s9], [sflag:$0x1] =	stream.linear.gather [hbm4b:s0+s2], $0x80, $0x38;
	[tilespmem:$0x1C800] =	vst v63  }
0x131: {  	s30 =	sand.u32 $0x1FFFFFF0, s26;
	s31 =	spop (v2sf)  }
0x132: {  	s1 =	sadd.s32 s3, s30;
	s6 =	sand.u32 $0x1FFFFFF0, s29;
	s4 =	sand.u32 $0x1FFFFFF0, s31  }
0x133: {  	[tilespmem:s8], [sflag:$0x1] =	stream.linear.gather [hbm4b:s1+s2], $0x80, $0x38;
	[tilespmem:$0x1C800] =	vst v63  }
0x134: {  	s8 =	sadd.s32 $0x1780, s18;
	s0 =	sadd.s32 s3, s6;
	s7 =	spop (v2sf)  }
0x135: {  	[tilespmem:s8], [sflag:$0x1] =	stream.linear.gather [hbm4b:s0+s2], $0x80, $0x38;
	[tilespmem:$0x1C800] =	vst v63  }
0x136: {  	s10 =	sadd.s32 $0x1800, s18;
	s4 =	sadd.s32 s3, s4;
	s9 =	sand.u32 $0x1FFFFFF0, s7  }
0x137: {  	[tilespmem:s10], [sflag:$0x1] =	stream.linear.gather [hbm4b:s4+s2], $0x80, $0x38;
	[tilespmem:$0x1C800] =	vst v63  }
0x138: {  	s11 =	sadd.s32 $0x1880, s18;
	s12 =	simm.s32 $0x1;
	s0 =	sadd.s32 s3, s9  }
0x139: {  	[tilespmem:s11], [sflag:$0x1] =	stream.linear.gather [hbm4b:s0+s2], $0x80, $0x38;
	[tilespmem:$0x1C800] =	vst v63  }
0x13a: {  	_ =	swait.ge [sflag:s12], $0xC800  }
0x13b: {  	s13 =	sld [smem:$0x7F9];
	_ =	sdelay $0x1  }
0x13c: {  	s14 =	rddreg [dreg:$0x1c]  }
0x13d: {  	s15 =	sld [smem:$0x7FC];
	s0 =	smul.u32 $0x380, s13  }
0x13e: {  	[sflag:s12] =	ssyncset.done $0x0;
	s16 =	sld [smem:$0x7FB]  }
0x13f: {  	[sflag:s12] =	ssyncadd.s32 $0xFFFF3800;
	s0 =	sadd.s32 s14, s0  }
0x140: {  	[hbm4b:s0+s2] =	stream.linear.scatter [tilespmem:s15], [sflag:$0x2], $0x1900, $0x38;
	[tilespmem:$0x1C800] =	vst v63  }
0x141: {  	s17 =	sadd.s32 $0x2400, s16;
	s18 =	sadd.s32 $0x380, s0  }
0x142: {  	[hbm4b:s18+s2] =	stream.linear.scatter [tilespmem:s17], [sflag:$0x2], $0x1900, $0x38;
	[tilespmem:$0x1C800] =	vst v63  }
0x143: {  	s31 =	sld [smem:$0x7FA];
	s19 =	sadd.s32 $0x4000, s16;
	s20 =	sadd.s32 $0x700, s0  }
0x144: {  	[hbm4b:s20+s2] =	stream.linear.scatter [tilespmem:s19], [sflag:$0x2], $0x1900, $0x38;
	[tilespmem:$0x1C800] =	vst v63  }
0x145: {  	s21 =	sadd.s32 $0x5C00, s16;
	s22 =	sadd.s32 $0xA80, s0  }
0x146: {  	[hbm4b:s22+s2] =	stream.linear.scatter [tilespmem:s21], [sflag:$0x2], $0x1900, $0x38;
	[tilespmem:$0x1C800] =	vst v63  }
0x147: {  	s23 =	sadd.s32 $0x7800, s16;
	s6 =	sadd.s32 $0x1, s31;
	s24 =	sadd.s32 $0xE00, s0  }
0x148: {  	[hbm4b:s24+s2] =	stream.linear.scatter [tilespmem:s23], [sflag:$0x2], $0x1900, $0x38;
	[tilespmem:$0x1C800] =	vst v63  }
0x149: {  	s25 =	sadd.s32 $0x9400, s16;
	p1 =	sne.s32 s6, $0x10;
	s26 =	sadd.s32 $0x1180, s0  }
0x14a: {  	[hbm4b:s26+s2] =	stream.linear.scatter [tilespmem:s25], [sflag:$0x2], $0x1900, $0x38;
	[tilespmem:$0x1C800] =	vst v63  }
.Ltmp5:
0x14b: {  	_ = 	snop;
	(pc) =	sbr.rel @p1 .LBB2_2-.Ltmp5, $4  }
0x14c: {  	s28 =	sadd.s32 $0xB000, s16;
	s29 =	sadd.s32 $0x1500, s0  }
0x14d: {  	[hbm4b:s29+s2] =	stream.linear.scatter [tilespmem:s28], [sflag:$0x2], $0x1900, $0x38;
	[tilespmem:$0x1C800] =	vst v63  }
0x14e: {  	p0 =	por !p0, !p0;
	s30 =	sadd.s32 $0xCC00, s16;
	s0 =	sadd.s32 $0x1880, s0  }
0x14f: {  	[hbm4b:s0+s2] =	stream.linear.scatter [tilespmem:s30], [sflag:$0x2], $0x1900, $0x38;
	[tilespmem:$0x1C800] =	vst v63  }
0x150: {  	s1 =	simm.s32 $0x2  }
0x151: {  	_ =	swait.ge [sflag:s1], $0xC800  }
0x152: {  	[sflag:s1] =	ssyncset.done $0x0  }
0x153: {  	[sflag:s1] =	ssyncadd.s32 $0xFFFF3800  }
0x154: {  	_ =	swait.ge [sflag:s1], $0xC800  }
0x155: {  	s4 =	sld [smem:$0x7FD];
	_ =	sdelay $0x2  }
0x156: {  	s0 =	rddreg [dreg:$0x1f];
	s4 =	sadd.s32 $0x1, s4  }
0x157: {  	p0 =	sne.s32 s4, s0  }
.Ltmp6:
0x158: {  	_ = 	snop;
	(pc) =	sbr.rel @p0 .LBB2_1-.Ltmp6, $3  }
0x159: {  	_ =	sdelay $0x1  }
0x15a: {  	[sflag:s1] =	ssyncset.done $0x0  }
0x15b: {  	[sflag:s1] =	ssyncadd.s32 $0xFFFF3800  }
0x15c: {  	_ =	sfence.sel $0x180000  }
0x15d: {  	[bflag:$0x0] =	sbarrier.arrive $0xFFFF  }
0x15e: {  	_ =	strace $0x90000047  }
0x15f: {  	s0 =	stileid.u32;
	[bflag:$0x2] =	sbarrier.arrive $0xFFFF  }
0x160: {  	p0 =	sne.s32 s0, $0x0;
	s0 =	rddreg [dreg:$0x2]  }
0x161: {  	s0 =	sadd.s32 @!p0 $0x100000, s0  }
0x162: {  	[sflag:s0] =	ssyncadd.tile.s32 @!p0 $0x1;
	_ =	shalt  }
.Lfunc_end2:
_tile_overlayer_lowered:
.L_overlay_start_2:
0x163: {  	(tag) =	ssettag $0x2  }
0x164: {  	s0 =	rddreg [dreg:$0x0];
	s2 =	stileid.u32  }
0x165: {  	s1 =	rddreg [dreg:$0x1];
	p0 =	sne.s32 s2, $0x0  }
0x166: {  	s3 =	rddreg [dreg:$0x2];
	[bflag:$0x3] =	sbarrier.arrive $0xFFFF;
	s2 =	simm.s32 @!p0 $0x1C04  }
0x167: {  	[timem:s3], [sflag:s2] =	dma.local @!p0 [hbm:s0], s1  }
0x168: {  	s0 =	simm.s32 @!p0 $0x4  }
0x169: {  	_ =	swait.ge @!p0 [sflag:s0], s1  }
0x16a: {  	s1 =	ssub.s32 @!p0 $0x0, s1;
	[sflag:s0] =	ssyncset.done @!p0 $0x0  }
0x16b: {  	[sflag:s0] =	ssyncadd.s32 @!p0 s1  }
0x16c: {  	[bflag:$0x3] =	sbarrier.arrive $0xFFFF  }
0x16d: {  	_ =	shalt  }

</sc_bundles>
